<compile_context>
chip_gen: v7x
topology: tpu7x:2x2x1
jax: 0.10.2.dev20260603
libtpu: 0.0.44.dev20260713+nightly
codegen_flags: <defaults>
</compile_context>

<pallas_src>
import functools

import jax
import jax.numpy as jnp
from jax import lax
from jax.experimental import pallas as pl
from jax.experimental.pallas import tpu as pltpu
from jax.experimental.pallas import tpu_sc as plsc

_NC = 2
_NS = 16
_NW = _NC * _NS
_CHUNK = 128
_R = 1000


def _ceil_div(a, b):
    return -(-a // b)


def _stripe_rows(n_nodes):
    return _ceil_div(n_nodes + 1, _NS * _CHUNK) * _CHUNK


_NSEG = 1


@functools.lru_cache(maxsize=None)
def _make_edge_pass(n_nodes, d, nchunks):
    rstripe = _stripe_rows(n_nodes)
    acc_rows = rstripe * _NS
    seg = nchunks // _NSEG

    def body(y_hbm, src_hbm, dst_hbm, out_hbm, src_v, dst_v,
             rows_a, acc, sem_a):
        c = lax.axis_index("c")
        s = lax.axis_index("s")
        wid = s * _NC + c

        def zero_body(i, carry):
            rows_a[i // (d // 16), pl.ds((i % (d // 16)) * 16, 16)] = (
                jnp.zeros((16,), jnp.float32))
            return carry
        lax.fori_loop(0, _CHUNK * (d // 16), zero_body, 0)

        base = s * rstripe
        nfull = rstripe // _CHUNK
        rem = rstripe - nfull * _CHUNK
        for k in range(nfull):
            pltpu.sync_copy(rows_a, acc.at[pl.ds(base + k * _CHUNK, _CHUNK)])
        if rem:
            pltpu.sync_copy(rows_a.at[pl.ds(0, rem)],
                            acc.at[pl.ds(base + nfull * _CHUNK, rem)])

        plsc.subcore_barrier()

        for ph in range(_NSEG):
            off = ph * seg
            pltpu.sync_copy(src_hbm.at[wid].at[pl.ds(off, seg)], src_v)
            pltpu.sync_copy(dst_hbm.at[wid].at[pl.ds(off, seg)], dst_v)
            def chunk_body(j, carry):
                pltpu.async_copy(y_hbm.at[src_v.at[j]], rows_a, sem_a).wait()
                pltpu.sync_copy(rows_a, acc.at[dst_v.at[j]], add=True)
                return carry
            lax.fori_loop(0, seg, chunk_body, 0)
        plsc.subcore_barrier()
        pltpu.sync_copy(acc.at[pl.ds(base, rstripe)],
                        out_hbm.at[c].at[pl.ds(base, rstripe)])

    return pl.kernel(
        body,
        out_type=jax.ShapeDtypeStruct((_NC, acc_rows, d), jnp.float32),
        mesh=plsc.VectorSubcoreMesh(core_axis_name="c", subcore_axis_name="s"),
        scratch_types=[
            pltpu.VMEM((seg, _CHUNK), jnp.int32),
            pltpu.VMEM((seg, _CHUNK), jnp.int32),
            pltpu.VMEM((_CHUNK, d), jnp.float32),
            pltpu.VMEM_SHARED((acc_rows, d), jnp.float32),
            pltpu.SemaphoreType.DMA,
        ],
    )


@functools.lru_cache(maxsize=None)
def _make_count_pass(n_nodes, nchunks):
    rstripe = _stripe_rows(n_nodes)
    acc_rows = rstripe * _NS

    def body(dst_hbm, out_hbm, dst_v, hist):
        c = lax.axis_index("c")
        s = lax.axis_index("s")
        wid = s * _NC + c
        pltpu.sync_copy(dst_hbm.at[wid], dst_v)

        def zero_body(i, carry):
            hist[pl.ds(i * 16, 16)] = jnp.zeros((16,), jnp.float32)
            return carry
        lax.fori_loop(0, acc_rows // 16, zero_body, 0)

        ones = jnp.ones((16,), jnp.float32)
        ipc = _CHUNK // 16

        def hist_body(i, carry):
            idx = dst_v[i // ipc, pl.ds((i % ipc) * 16, 16)]
            plsc.addupdate_scatter(hist, [idx], ones)
            return carry
        lax.fori_loop(0, nchunks * ipc, hist_body, 0)
        pltpu.sync_copy(hist, out_hbm.at[c].at[s])

    return pl.kernel(
        body,
        out_type=jax.ShapeDtypeStruct((_NC, _NS, acc_rows), jnp.float32),
        mesh=plsc.VectorSubcoreMesh(core_axis_name="c", subcore_axis_name="s"),
        scratch_types=[
            pltpu.VMEM((nchunks, _CHUNK), jnp.int32),
            pltpu.VMEM((acc_rows,), jnp.float32),
        ],
        compiler_params=pltpu.CompilerParams(needs_layout_passes=False),
    )


def _tcred(c3):
    nc, ns, acc_rows = c3.shape

    def body(c_ref, dj_ref):
        c3v = c_ref[...]
        cnt = jnp.sum(c3v[0] + c3v[1], axis=0)
        dinv = lax.rsqrt(cnt + 1.0)
        cntc = jnp.maximum(cnt, 1.0)
        z = jnp.zeros((acc_rows, 6), jnp.float32)
        dj_ref[...] = jnp.concatenate([dinv[:, None], cntc[:, None], z], axis=1)

    return pl.pallas_call(
        body,
        grid=(1,),
        in_specs=[pl.BlockSpec((nc, ns, acc_rows), lambda i: (0, 0, 0))],
        out_specs=pl.BlockSpec((acc_rows, 8), lambda i: (0, 0)),
        out_shape=jax.ShapeDtypeStruct((acc_rows, 8), jnp.float32),
    )(c3)


def _tc1(x, W1, dj):
    n, d = x.shape

    def body(x_ref, w_ref, dj_ref, y_ref, xw_ref):
        dinv = dj_ref[...][:, 0]
        xw = jnp.dot(x_ref[...], w_ref[...], preferred_element_type=jnp.float32)
        xw_ref[...] = xw
        y_ref[...] = xw * dinv[:, None]

    return pl.pallas_call(
        body,
        grid=(n // _R,),
        in_specs=[
            pl.BlockSpec((_R, d), lambda i: (i, 0)),
            pl.BlockSpec((d, d), lambda i: (0, 0)),
            pl.BlockSpec((_R, 8), lambda i: (i, 0)),
        ],
        out_specs=[pl.BlockSpec((_R, d), lambda i: (i, 0))] * 2,
        out_shape=[jax.ShapeDtypeStruct((n, d), jnp.float32)] * 2,
    )(x, W1, dj)


def _tc2(s1p, xw, dj, b1, W2r):
    n, d = xw.shape

    def body(s_ref, xw_ref, dj_ref, b_ref, w_ref, h1_ref, hr_ref):
        dinv = dj_ref[...][:, 0]
        sarr = s_ref[...]
        pre = ((sarr[0] + sarr[1]) * dinv[:, None]
               + xw_ref[...] * (dinv * dinv)[:, None] + b_ref[...])
        h1 = jnp.maximum(pre, 0.0)
        h1_ref[...] = h1
        hr_ref[...] = jnp.dot(h1, w_ref[...], preferred_element_type=jnp.float32)

    return pl.pallas_call(
        body,
        grid=(n // _R,),
        in_specs=[
            pl.BlockSpec((2, _R, d), lambda i: (0, i, 0)),
            pl.BlockSpec((_R, d), lambda i: (i, 0)),
            pl.BlockSpec((_R, 8), lambda i: (i, 0)),
            pl.BlockSpec((1, d), lambda i: (0, 0)),
            pl.BlockSpec((d, d), lambda i: (0, 0)),
        ],
        out_specs=[pl.BlockSpec((_R, d), lambda i: (i, 0))] * 2,
        out_shape=[jax.ShapeDtypeStruct((n, d), jnp.float32)] * 2,
    )(s1p, xw, dj, b1, W2r)


def _tc3(s2p, hr, dj, b2, W2l, W3):
    n, d = hr.shape

    def body(s_ref, hr_ref, dj_ref, b_ref, wl_ref, w3_ref, y3_ref, hw_ref):
        djv = dj_ref[...]
        dinv = djv[:, 0]
        cntc = djv[:, 1]
        sarr = s_ref[...]
        mean = (sarr[0] + sarr[1]) / cntc[:, None]
        h2 = jnp.maximum(
            jnp.dot(mean, wl_ref[...], preferred_element_type=jnp.float32)
            + hr_ref[...] + b_ref[...], 0.0)
        hw = jnp.dot(h2, w3_ref[...], preferred_element_type=jnp.float32)
        hw_ref[...] = hw
        y3_ref[...] = hw * dinv[:, None]

    return pl.pallas_call(
        body,
        grid=(n // _R,),
        in_specs=[
            pl.BlockSpec((2, _R, d), lambda i: (0, i, 0)),
            pl.BlockSpec((_R, d), lambda i: (i, 0)),
            pl.BlockSpec((_R, 8), lambda i: (i, 0)),
            pl.BlockSpec((1, d), lambda i: (0, 0)),
            pl.BlockSpec((d, d), lambda i: (0, 0)),
            pl.BlockSpec((d, d), lambda i: (0, 0)),
        ],
        out_specs=[pl.BlockSpec((_R, d), lambda i: (i, 0))] * 2,
        out_shape=[jax.ShapeDtypeStruct((n, d), jnp.float32)] * 2,
    )(s2p, hr, dj, b2, W2l, W3)


def _tc4(s3p, hw, dj, b3):
    n, d = hw.shape

    def body(s_ref, hw_ref, dj_ref, b_ref, o_ref):
        dinv = dj_ref[...][:, 0]
        sarr = s_ref[...]
        o_ref[...] = ((sarr[0] + sarr[1]) * dinv[:, None]
                      + hw_ref[...] * (dinv * dinv)[:, None] + b_ref[...])

    return pl.pallas_call(
        body,
        grid=(n // _R,),
        in_specs=[
            pl.BlockSpec((2, _R, d), lambda i: (0, i, 0)),
            pl.BlockSpec((_R, d), lambda i: (i, 0)),
            pl.BlockSpec((_R, 8), lambda i: (i, 0)),
            pl.BlockSpec((1, d), lambda i: (0, 0)),
        ],
        out_specs=pl.BlockSpec((_R, d), lambda i: (i, 0)),
        out_shape=jax.ShapeDtypeStruct((n, d), jnp.float32),
    )(s3p, hw, dj, b3)


def kernel(x, edge_index, W1, b1, W2l, W2r, b2, W3, b3):
    n, d = x.shape
    e = edge_index.shape[1]
    src = edge_index[0].astype(jnp.int32)
    dst = edge_index[1].astype(jnp.int32)

    nchunks = _ceil_div(_ceil_div(e, _NW * _CHUNK), _NSEG) * _NSEG
    e_pad = nchunks * _NW * _CHUNK
    srcp = jnp.concatenate(
        [src, jnp.zeros((e_pad - e,), jnp.int32)]).reshape(_NW, nchunks, _CHUNK)
    dstp = jnp.concatenate(
        [dst, jnp.full((e_pad - e,), n, jnp.int32)]).reshape(_NW, nchunks, _CHUNK)

    edge_pass = _make_edge_pass(n, d, nchunks)
    c3 = _make_count_pass(n, nchunks)(dstp)
    dj = _tcred(c3)

    y1, xw = _tc1(x, W1, dj)
    s1p = edge_pass(y1, srcp, dstp)
    h1, hr = _tc2(s1p, xw, dj, b1.reshape(1, d), W2r)
    s2p = edge_pass(h1, srcp, dstp)
    y3, hw = _tc3(s2p, hr, dj, b2.reshape(1, d), W2l, W3)
    s3p = edge_pass(y3, srcp, dstp)
    return _tc4(s3p, hw, dj, b3.reshape(1, d))

# --- scband reference (transcript-rebuilt; emitter-appended) ---
"""Pipeline reference for scband-gnnrouting-model-21045339750409 (READ-ONLY COPY).

The authoritative reference and input builder live on the scoring server;
editing this copy changes nothing except your own understanding.
"""

import jax, jax.numpy as jnp
import numpy as np

N = 10000
E = 320000
D_IN = 128
D_HID = 128
D_OUT = 128


def setup_inputs(seed: int = 0) -> dict:
    key = jax.random.key(seed)
    ks = jax.random.split(key, 10)
    x = jax.random.normal(ks[0], (N, D_IN), dtype=jnp.float32)
    edge_index = jax.random.randint(ks[1], (2, E), 0, N, dtype=jnp.int64)
    # GCNConv 1: weight [in, hid], bias [hid]
    W1 = jax.random.normal(ks[2], (D_IN, D_HID), dtype=jnp.float32) * (1.0 / np.sqrt(D_IN))
    b1 = jnp.zeros((D_HID,), dtype=jnp.float32)
    # SAGEConv: lin_l (aggregated neighbors) and lin_r (root)
    W2l = jax.random.normal(ks[3], (D_HID, D_HID), dtype=jnp.float32) * (1.0 / np.sqrt(D_HID))
    W2r = jax.random.normal(ks[4], (D_HID, D_HID), dtype=jnp.float32) * (1.0 / np.sqrt(D_HID))
    b2 = jnp.zeros((D_HID,), dtype=jnp.float32)
    # GCNConv 3
    W3 = jax.random.normal(ks[5], (D_HID, D_OUT), dtype=jnp.float32) * (1.0 / np.sqrt(D_HID))
    b3 = jnp.zeros((D_OUT,), dtype=jnp.float32)
    return {"x": x, "edge_index": edge_index, "W1": W1, "b1": b1,
            "W2l": W2l, "W2r": W2r, "b2": b2, "W3": W3, "b3": b3}


def gcn_conv(x, src, dst, W, b, num_nodes):
    # PyG GCNConv: add self loops, symmetric normalization D^-1/2 A_hat D^-1/2
    loop = jnp.arange(num_nodes, dtype=src.dtype)
    s = jnp.concatenate([src, loop])
    d = jnp.concatenate([dst, loop])
    deg = jnp.zeros((num_nodes,), dtype=x.dtype).at[d].add(1.0)
    dinv = jnp.where(deg > 0, deg ** -0.5, 0.0)
    norm = dinv[s] * dinv[d]
    xw = x @ W
    msg = jnp.take(xw, s, axis=0) * norm[:, None]
    out = jnp.zeros((num_nodes, W.shape[1]), dtype=x.dtype).at[d].add(msg)
    return out + b


def sage_conv(x, src, dst, Wl, Wr, b, num_nodes):
    # PyG SAGEConv with mean aggregation: lin_l(mean_neigh) + lin_r(x_root) + b
    agg = jnp.zeros((num_nodes, x.shape[1]), dtype=x.dtype).at[dst].add(jnp.take(x, src, axis=0))
    cnt = jnp.zeros((num_nodes,), dtype=x.dtype).at[dst].add(1.0)
    mean = agg / jnp.clip(cnt, 1.0)[:, None]
    return mean @ Wl + x @ Wr + b


def reference(x, edge_index, W1, b1, W2l, W2r, b2, W3, b3):
    src = edge_index[0]
    dst = edge_index[1]
    h = gcn_conv(x, src, dst, W1, b1, N)
    h = jax.nn.relu(h)
    h = sage_conv(h, src, dst, W2l, W2r, b2, N)
    h = jax.nn.relu(h)
    out = gcn_conv(h, src, dst, W3, b3, N)
    return out

if __name__ == "__main__":
    import jax
    _d = setup_inputs()
    print(jax.jit(kernel)(*tuple(_d.values())))

</pallas_src>

<mosaic_0001>
#map = affine_map<(d0, d1) -> (0, 0)>
#map1 = affine_map<(d0, d1) -> (0, 0, 0)>
module attributes {stable_mosaic.version = 14 : i64} {
  func.func @body(%arg0: i32, %arg1: i32, %arg2: memref<10000x128xf32, #tpu.memory_space<hbm>>, %arg3: memref<32x79x128xi32, #tpu.memory_space<hbm>>, %arg4: memref<32x79x128xi32, #tpu.memory_space<hbm>>, %arg5: memref<2x10240x128xf32, #tpu.memory_space<hbm>>, %arg6: memref<79x128xi32, #tpu.memory_space<vmem>>, %arg7: memref<79x128xi32, #tpu.memory_space<vmem>>, %arg8: memref<128x128xf32, #tpu.memory_space<vmem>>, %arg9: memref<10240x128xf32, #tpu.memory_space<vmem_shared>>, %arg10: memref<!tpu.dma_semaphore, #tpu.memory_space<semaphore_mem>>) attributes {dimension_semantics = [#tpu.dimension_semantics<core_parallel>, #tpu.dimension_semantics<subcore_parallel>], iteration_bounds = array<i64: 2, 16>, scalar_prefetch = 0 : i64, scratch_operands = 5 : i64, tpu.core_type = #tpu.core_type<sc_vector_subcore>, window_params = [{transform_indices = #map}, {transform_indices = #map1}, {transform_indices = #map1}, {transform_indices = #map1}]} {
    %mul3A = arith.constant 2 : i32
    %mul3A_0 = arith.muli %arg1, %mul3A : i32
    %add3A = arith.addi %mul3A_0, %arg0 : i32
    %scan3A = arith.constant 0 : i32
    %scan3A_1 = arith.constant 0 : i32
    %scan3A_2 = arith.constant 1024 : i32
    %scan3A_3 = arith.addi %scan3A_1, %scan3A_2 : i32
    %scan3A_4 = arith.constant 1 : i32
    scf.for %scan3A_25 = %scan3A_1 to %scan3A_3 step %scan3A_4  : i32 {
      %broadcast_in_dim3A = arith.constant 0.000000e+00 : f32
      %broadcast_in_dim3A_26 = vector.broadcast %broadcast_in_dim3A : f32 to vector<16xf32>
      %jit3A = arith.constant 8 : i32
      %div3A = arith.divsi %scan3A_25, %jit3A : i32
      %sign3A = arith.constant 0 : i32
      %sign3A_27 = arith.cmpi sgt, %scan3A_25, %sign3A : i32
      %sign3A_28 = arith.extui %sign3A_27 : i1 to i32
      %sign3A_29 = arith.constant 0 : i32
      %sign3A_30 = arith.cmpi slt, %scan3A_25, %sign3A_29 : i32
      %sign3A_31 = arith.extui %sign3A_30 : i1 to i32
      %sign3A_32 = arith.subi %sign3A_28, %sign3A_31 : i32
      %sign3A_33 = arith.constant 0 : i32
      %sign3A_34 = arith.cmpi sgt, %jit3A, %sign3A_33 : i32
      %sign3A_35 = arith.extui %sign3A_34 : i1 to i32
      %sign3A_36 = arith.constant 0 : i32
      %sign3A_37 = arith.cmpi slt, %jit3A, %sign3A_36 : i32
      %sign3A_38 = arith.extui %sign3A_37 : i1 to i32
      %sign3A_39 = arith.subi %sign3A_35, %sign3A_38 : i32
      %ne3A = arith.cmpi ne, %sign3A_32, %sign3A_39 : i32
      %rem3A = arith.remsi %scan3A_25, %jit3A : i32
      %ne3A_40 = arith.constant 0 : i32
      %ne3A_41 = arith.cmpi ne, %rem3A, %ne3A_40 : i32
      %and3A = arith.andi %ne3A, %ne3A_41 : i1
      %sub3A = arith.constant 1 : i32
      %sub3A_42 = arith.subi %div3A, %sub3A : i32
      %select_n3A = arith.select %and3A, %sub3A_42, %div3A : i32
      %jit3A_43 = arith.constant 8 : i32
      %eq3A = arith.constant 0 : i32
      %eq3A_44 = arith.cmpi eq, %jit3A_43, %eq3A : i32
      %jit3A_45 = arith.constant 1 : i32
      %select_n3A_46 = arith.select %eq3A_44, %jit3A_45, %jit3A_43 : i32
      %rem3A_47 = arith.remsi %scan3A_25, %select_n3A_46 : i32
      %ne3A_48 = arith.constant 0 : i32
      %ne3A_49 = arith.cmpi ne, %rem3A_47, %ne3A_48 : i32
      %lt3A = arith.constant 0 : i32
      %lt3A_50 = arith.cmpi slt, %rem3A_47, %lt3A : i32
      %lt3A_51 = arith.constant 0 : i32
      %lt3A_52 = arith.cmpi slt, %select_n3A_46, %lt3A_51 : i32
      %ne3A_53 = arith.xori %lt3A_50, %lt3A_52 : i1
      %and3A_54 = arith.andi %ne3A_53, %ne3A_49 : i1
      %add3A_55 = arith.addi %rem3A_47, %select_n3A_46 : i32
      %select_n3A_56 = arith.select %and3A_54, %add3A_55, %rem3A_47 : i32
      %mul3A_57 = arith.constant 16 : i32
      %mul3A_58 = arith.muli %select_n3A_56, %mul3A_57 : i32
      %swap3A = arith.index_cast %select_n3A : i32 to index
      %swap3A_59 = arith.index_cast %mul3A_58 : i32 to index
      %swap3A_60 = tpu.vector_load %arg8[%swap3A, %swap3A_59] {strides = array<i32>} : memref<128x128xf32, #tpu.memory_space<vmem>>, vector<1x16xf32>,
      %swap3A_61 = vector.shape_cast %swap3A_60 : vector<1x16xf32> to vector<16xf32>
      %swap3A_62 = vector.shape_cast %broadcast_in_dim3A_26 : vector<16xf32> to vector<1x16xf32>
      tpu.vector_store %arg8[%swap3A, %swap3A_59], %swap3A_62 {strides = array<i32>} : memref<128x128xf32, #tpu.memory_space<vmem>>, vector<1x16xf32>,
    }
    %scan3A_5 = arith.constant 1024 : i32
    %mul3A_6 = arith.constant 640 : i32
    %mul3A_7 = arith.muli %arg1, %mul3A_6 : i32
    %add3A_8 = arith.constant 0 : i32
    %add3A_9 = arith.addi %mul3A_7, %add3A_8 : i32
    "tpu.region"() ({
      %run_scoped3A = tpu.sem_alloc : memref<!tpu.dma_semaphore, #tpu.memory_space<semaphore_mem>>
      %dma_start3A = arith.constant 0 : i32
      %dma_start3A_25 = tpu.memref_slice %arg9[%add3A_9, %dma_start3A] : memref<10240x128xf32, #tpu.memory_space<vmem_shared>> -> memref<128x128xf32, #tpu.memory_space<vmem_shared>>
      %dma_start3A_26 = arith.constant 0 : i32
      %dma_start3A_27 = tpu.memref_slice %arg9[%add3A_9, %dma_start3A_26] : memref<10240x128xf32, #tpu.memory_space<vmem_shared>> -> memref<128x128xf32, #tpu.memory_space<vmem_shared>>
      tpu.enqueue_dma source(%arg8 : memref<128x128xf32, #tpu.memory_space<vmem>>) target(%dma_start3A_27 : memref<128x128xf32, #tpu.memory_space<vmem_shared>>) target_semaphore(%run_scoped3A : memref<!tpu.dma_semaphore, #tpu.memory_space<semaphore_mem>>)
      %dma_wait3A = arith.constant 0 : i32
      %dma_wait3A_28 = tpu.memref_slice %arg9[%add3A_9, %dma_wait3A] : memref<10240x128xf32, #tpu.memory_space<vmem_shared>> -> memref<128x128xf32, #tpu.memory_space<vmem_shared>>
      %dma_wait3A_29 = arith.constant 0 : i32
      %dma_wait3A_30 = tpu.memref_slice %arg9[%add3A_9, %dma_wait3A_29] : memref<10240x128xf32, #tpu.memory_space<vmem_shared>> -> memref<128x128xf32, #tpu.memory_space<vmem_shared>>
      tpu.wait_dma2 semaphore(%run_scoped3A : memref<!tpu.dma_semaphore, #tpu.memory_space<semaphore_mem>>) src(%arg8 : memref<128x128xf32, #tpu.memory_space<vmem>>) dst(%dma_wait3A_30 : memref<128x128xf32, #tpu.memory_space<vmem_shared>>)
      tpu.yield
    }) : () -> ()
    %add3A_10 = arith.constant 128 : i32
    %add3A_11 = arith.addi %mul3A_7, %add3A_10 : i32
    "tpu.region"() ({
      %run_scoped3A = tpu.sem_alloc : memref<!tpu.dma_semaphore, #tpu.memory_space<semaphore_mem>>
      %dma_start3A = arith.constant 0 : i32
      %dma_start3A_25 = tpu.memref_slice %arg9[%add3A_11, %dma_start3A] : memref<10240x128xf32, #tpu.memory_space<vmem_shared>> -> memref<128x128xf32, #tpu.memory_space<vmem_shared>>
      %dma_start3A_26 = arith.constant 0 : i32
      %dma_start3A_27 = tpu.memref_slice %arg9[%add3A_11, %dma_start3A_26] : memref<10240x128xf32, #tpu.memory_space<vmem_shared>> -> memref<128x128xf32, #tpu.memory_space<vmem_shared>>
      tpu.enqueue_dma source(%arg8 : memref<128x128xf32, #tpu.memory_space<vmem>>) target(%dma_start3A_27 : memref<128x128xf32, #tpu.memory_space<vmem_shared>>) target_semaphore(%run_scoped3A : memref<!tpu.dma_semaphore, #tpu.memory_space<semaphore_mem>>)
      %dma_wait3A = arith.constant 0 : i32
      %dma_wait3A_28 = tpu.memref_slice %arg9[%add3A_11, %dma_wait3A] : memref<10240x128xf32, #tpu.memory_space<vmem_shared>> -> memref<128x128xf32, #tpu.memory_space<vmem_shared>>
      %dma_wait3A_29 = arith.constant 0 : i32
      %dma_wait3A_30 = tpu.memref_slice %arg9[%add3A_11, %dma_wait3A_29] : memref<10240x128xf32, #tpu.memory_space<vmem_shared>> -> memref<128x128xf32, #tpu.memory_space<vmem_shared>>
      tpu.wait_dma2 semaphore(%run_scoped3A : memref<!tpu.dma_semaphore, #tpu.memory_space<semaphore_mem>>) src(%arg8 : memref<128x128xf32, #tpu.memory_space<vmem>>) dst(%dma_wait3A_30 : memref<128x128xf32, #tpu.memory_space<vmem_shared>>)
      tpu.yield
    }) : () -> ()
    %add3A_12 = arith.constant 256 : i32
    %add3A_13 = arith.addi %mul3A_7, %add3A_12 : i32
    "tpu.region"() ({
      %run_scoped3A = tpu.sem_alloc : memref<!tpu.dma_semaphore, #tpu.memory_space<semaphore_mem>>
      %dma_start3A = arith.constant 0 : i32
      %dma_start3A_25 = tpu.memref_slice %arg9[%add3A_13, %dma_start3A] : memref<10240x128xf32, #tpu.memory_space<vmem_shared>> -> memref<128x128xf32, #tpu.memory_space<vmem_shared>>
      %dma_start3A_26 = arith.constant 0 : i32
      %dma_start3A_27 = tpu.memref_slice %arg9[%add3A_13, %dma_start3A_26] : memref<10240x128xf32, #tpu.memory_space<vmem_shared>> -> memref<128x128xf32, #tpu.memory_space<vmem_shared>>
      tpu.enqueue_dma source(%arg8 : memref<128x128xf32, #tpu.memory_space<vmem>>) target(%dma_start3A_27 : memref<128x128xf32, #tpu.memory_space<vmem_shared>>) target_semaphore(%run_scoped3A : memref<!tpu.dma_semaphore, #tpu.memory_space<semaphore_mem>>)
      %dma_wait3A = arith.constant 0 : i32
      %dma_wait3A_28 = tpu.memref_slice %arg9[%add3A_13, %dma_wait3A] : memref<10240x128xf32, #tpu.memory_space<vmem_shared>> -> memref<128x128xf32, #tpu.memory_space<vmem_shared>>
      %dma_wait3A_29 = arith.constant 0 : i32
      %dma_wait3A_30 = tpu.memref_slice %arg9[%add3A_13, %dma_wait3A_29] : memref<10240x128xf32, #tpu.memory_space<vmem_shared>> -> memref<128x128xf32, #tpu.memory_space<vmem_shared>>
      tpu.wait_dma2 semaphore(%run_scoped3A : memref<!tpu.dma_semaphore, #tpu.memory_space<semaphore_mem>>) src(%arg8 : memref<128x128xf32, #tpu.memory_space<vmem>>) dst(%dma_wait3A_30 : memref<128x128xf32, #tpu.memory_space<vmem_shared>>)
      tpu.yield
    }) : () -> ()
    %add3A_14 = arith.constant 384 : i32
    %add3A_15 = arith.addi %mul3A_7, %add3A_14 : i32
    "tpu.region"() ({
      %run_scoped3A = tpu.sem_alloc : memref<!tpu.dma_semaphore, #tpu.memory_space<semaphore_mem>>
      %dma_start3A = arith.constant 0 : i32
      %dma_start3A_25 = tpu.memref_slice %arg9[%add3A_15, %dma_start3A] : memref<10240x128xf32, #tpu.memory_space<vmem_shared>> -> memref<128x128xf32, #tpu.memory_space<vmem_shared>>
      %dma_start3A_26 = arith.constant 0 : i32
      %dma_start3A_27 = tpu.memref_slice %arg9[%add3A_15, %dma_start3A_26] : memref<10240x128xf32, #tpu.memory_space<vmem_shared>> -> memref<128x128xf32, #tpu.memory_space<vmem_shared>>
      tpu.enqueue_dma source(%arg8 : memref<128x128xf32, #tpu.memory_space<vmem>>) target(%dma_start3A_27 : memref<128x128xf32, #tpu.memory_space<vmem_shared>>) target_semaphore(%run_scoped3A : memref<!tpu.dma_semaphore, #tpu.memory_space<semaphore_mem>>)
      %dma_wait3A = arith.constant 0 : i32
      %dma_wait3A_28 = tpu.memref_slice %arg9[%add3A_15, %dma_wait3A] : memref<10240x128xf32, #tpu.memory_space<vmem_shared>> -> memref<128x128xf32, #tpu.memory_space<vmem_shared>>
      %dma_wait3A_29 = arith.constant 0 : i32
      %dma_wait3A_30 = tpu.memref_slice %arg9[%add3A_15, %dma_wait3A_29] : memref<10240x128xf32, #tpu.memory_space<vmem_shared>> -> memref<128x128xf32, #tpu.memory_space<vmem_shared>>
      tpu.wait_dma2 semaphore(%run_scoped3A : memref<!tpu.dma_semaphore, #tpu.memory_space<semaphore_mem>>) src(%arg8 : memref<128x128xf32, #tpu.memory_space<vmem>>) dst(%dma_wait3A_30 : memref<128x128xf32, #tpu.memory_space<vmem_shared>>)
      tpu.yield
    }) : () -> ()
    %add3A_16 = arith.constant 512 : i32
    %add3A_17 = arith.addi %mul3A_7, %add3A_16 : i32
    "tpu.region"() ({
      %run_scoped3A = tpu.sem_alloc : memref<!tpu.dma_semaphore, #tpu.memory_space<semaphore_mem>>
      %dma_start3A = arith.constant 0 : i32
      %dma_start3A_25 = tpu.memref_slice %arg9[%add3A_17, %dma_start3A] : memref<10240x128xf32, #tpu.memory_space<vmem_shared>> -> memref<128x128xf32, #tpu.memory_space<vmem_shared>>
      %dma_start3A_26 = arith.constant 0 : i32
      %dma_start3A_27 = tpu.memref_slice %arg9[%add3A_17, %dma_start3A_26] : memref<10240x128xf32, #tpu.memory_space<vmem_shared>> -> memref<128x128xf32, #tpu.memory_space<vmem_shared>>
      tpu.enqueue_dma source(%arg8 : memref<128x128xf32, #tpu.memory_space<vmem>>) target(%dma_start3A_27 : memref<128x128xf32, #tpu.memory_space<vmem_shared>>) target_semaphore(%run_scoped3A : memref<!tpu.dma_semaphore, #tpu.memory_space<semaphore_mem>>)
      %dma_wait3A = arith.constant 0 : i32
      %dma_wait3A_28 = tpu.memref_slice %arg9[%add3A_17, %dma_wait3A] : memref<10240x128xf32, #tpu.memory_space<vmem_shared>> -> memref<128x128xf32, #tpu.memory_space<vmem_shared>>
      %dma_wait3A_29 = arith.constant 0 : i32
      %dma_wait3A_30 = tpu.memref_slice %arg9[%add3A_17, %dma_wait3A_29] : memref<10240x128xf32, #tpu.memory_space<vmem_shared>> -> memref<128x128xf32, #tpu.memory_space<vmem_shared>>
      tpu.wait_dma2 semaphore(%run_scoped3A : memref<!tpu.dma_semaphore, #tpu.memory_space<semaphore_mem>>) src(%arg8 : memref<128x128xf32, #tpu.memory_space<vmem>>) dst(%dma_wait3A_30 : memref<128x128xf32, #tpu.memory_space<vmem_shared>>)
      tpu.yield
    }) : () -> ()
    %barrier3A = arith.constant 0 : index
    tpu.barrier barrier_id(%barrier3A)
    "tpu.region"() ({
      %run_scoped3A = tpu.sem_alloc : memref<!tpu.dma_semaphore, #tpu.memory_space<semaphore_mem>>
      %dma_start3A = arith.constant 0 : i32
      %dma_start3A_25 = arith.constant 0 : i32
      %dma_start3A_26 = tpu.memref_slice %arg3[%add3A, %dma_start3A, %dma_start3A_25] : memref<32x79x128xi32, #tpu.memory_space<hbm>> -> memref<1x79x128xi32, #tpu.memory_space<hbm>>
      %dma_start3A_27 = tpu.memref_squeeze %dma_start3A_26 : memref<1x79x128xi32, #tpu.memory_space<hbm>> -> memref<79x128xi32, #tpu.memory_space<hbm>>
      %dma_start3A_28 = arith.constant 0 : i32
      %dma_start3A_29 = arith.constant 0 : i32
      %dma_start3A_30 = tpu.memref_slice %dma_start3A_27[%dma_start3A_28, %dma_start3A_29] : memref<79x128xi32, #tpu.memory_space<hbm>> -> memref<79x128xi32, #tpu.memory_space<hbm>>
      %dma_start3A_31 = arith.constant 0 : i32
      %dma_start3A_32 = arith.constant 0 : i32
      %dma_start3A_33 = tpu.memref_slice %arg3[%add3A, %dma_start3A_31, %dma_start3A_32] : memref<32x79x128xi32, #tpu.memory_space<hbm>> -> memref<1x79x128xi32, #tpu.memory_space<hbm>>
      %dma_start3A_34 = tpu.memref_squeeze %dma_start3A_33 : memref<1x79x128xi32, #tpu.memory_space<hbm>> -> memref<79x128xi32, #tpu.memory_space<hbm>>
      %dma_start3A_35 = arith.constant 0 : i32
      %dma_start3A_36 = arith.constant 0 : i32
      %dma_start3A_37 = tpu.memref_slice %dma_start3A_34[%dma_start3A_35, %dma_start3A_36] : memref<79x128xi32, #tpu.memory_space<hbm>> -> memref<79x128xi32, #tpu.memory_space<hbm>>
      tpu.enqueue_dma source(%dma_start3A_37 : memref<79x128xi32, #tpu.memory_space<hbm>>) target(%arg6 : memref<79x128xi32, #tpu.memory_space<vmem>>) target_semaphore(%run_scoped3A : memref<!tpu.dma_semaphore, #tpu.memory_space<semaphore_mem>>)
      %dma_wait3A = arith.constant 0 : i32
      %dma_wait3A_38 = arith.constant 0 : i32
      %dma_wait3A_39 = tpu.memref_slice %arg3[%add3A, %dma_wait3A, %dma_wait3A_38] : memref<32x79x128xi32, #tpu.memory_space<hbm>> -> memref<1x79x128xi32, #tpu.memory_space<hbm>>
      %dma_wait3A_40 = tpu.memref_squeeze %dma_wait3A_39 : memref<1x79x128xi32, #tpu.memory_space<hbm>> -> memref<79x128xi32, #tpu.memory_space<hbm>>
      %dma_wait3A_41 = arith.constant 0 : i32
      %dma_wait3A_42 = arith.constant 0 : i32
      %dma_wait3A_43 = tpu.memref_slice %dma_wait3A_40[%dma_wait3A_41, %dma_wait3A_42] : memref<79x128xi32, #tpu.memory_space<hbm>> -> memref<79x128xi32, #tpu.memory_space<hbm>>
      %dma_wait3A_44 = arith.constant 0 : i32
      %dma_wait3A_45 = arith.constant 0 : i32
      %dma_wait3A_46 = tpu.memref_slice %arg3[%add3A, %dma_wait3A_44, %dma_wait3A_45] : memref<32x79x128xi32, #tpu.memory_space<hbm>> -> memref<1x79x128xi32, #tpu.memory_space<hbm>>
      %dma_wait3A_47 = tpu.memref_squeeze %dma_wait3A_46 : memref<1x79x128xi32, #tpu.memory_space<hbm>> -> memref<79x128xi32, #tpu.memory_space<hbm>>
      %dma_wait3A_48 = arith.constant 0 : i32
      %dma_wait3A_49 = arith.constant 0 : i32
      %dma_wait3A_50 = tpu.memref_slice %dma_wait3A_47[%dma_wait3A_48, %dma_wait3A_49] : memref<79x128xi32, #tpu.memory_space<hbm>> -> memref<79x128xi32, #tpu.memory_space<hbm>>
      tpu.wait_dma2 semaphore(%run_scoped3A : memref<!tpu.dma_semaphore, #tpu.memory_space<semaphore_mem>>) src(%dma_wait3A_50 : memref<79x128xi32, #tpu.memory_space<hbm>>) dst(%arg6 : memref<79x128xi32, #tpu.memory_space<vmem>>)
      tpu.yield
    }) : () -> ()
    "tpu.region"() ({
      %run_scoped3A = tpu.sem_alloc : memref<!tpu.dma_semaphore, #tpu.memory_space<semaphore_mem>>
      %dma_start3A = arith.constant 0 : i32
      %dma_start3A_25 = arith.constant 0 : i32
      %dma_start3A_26 = tpu.memref_slice %arg4[%add3A, %dma_start3A, %dma_start3A_25] : memref<32x79x128xi32, #tpu.memory_space<hbm>> -> memref<1x79x128xi32, #tpu.memory_space<hbm>>
      %dma_start3A_27 = tpu.memref_squeeze %dma_start3A_26 : memref<1x79x128xi32, #tpu.memory_space<hbm>> -> memref<79x128xi32, #tpu.memory_space<hbm>>
      %dma_start3A_28 = arith.constant 0 : i32
      %dma_start3A_29 = arith.constant 0 : i32
      %dma_start3A_30 = tpu.memref_slice %dma_start3A_27[%dma_start3A_28, %dma_start3A_29] : memref<79x128xi32, #tpu.memory_space<hbm>> -> memref<79x128xi32, #tpu.memory_space<hbm>>
      %dma_start3A_31 = arith.constant 0 : i32
      %dma_start3A_32 = arith.constant 0 : i32
      %dma_start3A_33 = tpu.memref_slice %arg4[%add3A, %dma_start3A_31, %dma_start3A_32] : memref<32x79x128xi32, #tpu.memory_space<hbm>> -> memref<1x79x128xi32, #tpu.memory_space<hbm>>
      %dma_start3A_34 = tpu.memref_squeeze %dma_start3A_33 : memref<1x79x128xi32, #tpu.memory_space<hbm>> -> memref<79x128xi32, #tpu.memory_space<hbm>>
      %dma_start3A_35 = arith.constant 0 : i32
      %dma_start3A_36 = arith.constant 0 : i32
      %dma_start3A_37 = tpu.memref_slice %dma_start3A_34[%dma_start3A_35, %dma_start3A_36] : memref<79x128xi32, #tpu.memory_space<hbm>> -> memref<79x128xi32, #tpu.memory_space<hbm>>
      tpu.enqueue_dma source(%dma_start3A_37 : memref<79x128xi32, #tpu.memory_space<hbm>>) target(%arg7 : memref<79x128xi32, #tpu.memory_space<vmem>>) target_semaphore(%run_scoped3A : memref<!tpu.dma_semaphore, #tpu.memory_space<semaphore_mem>>)
      %dma_wait3A = arith.constant 0 : i32
      %dma_wait3A_38 = arith.constant 0 : i32
      %dma_wait3A_39 = tpu.memref_slice %arg4[%add3A, %dma_wait3A, %dma_wait3A_38] : memref<32x79x128xi32, #tpu.memory_space<hbm>> -> memref<1x79x128xi32, #tpu.memory_space<hbm>>
      %dma_wait3A_40 = tpu.memref_squeeze %dma_wait3A_39 : memref<1x79x128xi32, #tpu.memory_space<hbm>> -> memref<79x128xi32, #tpu.memory_space<hbm>>
      %dma_wait3A_41 = arith.constant 0 : i32
      %dma_wait3A_42 = arith.constant 0 : i32
      %dma_wait3A_43 = tpu.memref_slice %dma_wait3A_40[%dma_wait3A_41, %dma_wait3A_42] : memref<79x128xi32, #tpu.memory_space<hbm>> -> memref<79x128xi32, #tpu.memory_space<hbm>>
      %dma_wait3A_44 = arith.constant 0 : i32
      %dma_wait3A_45 = arith.constant 0 : i32
      %dma_wait3A_46 = tpu.memref_slice %arg4[%add3A, %dma_wait3A_44, %dma_wait3A_45] : memref<32x79x128xi32, #tpu.memory_space<hbm>> -> memref<1x79x128xi32, #tpu.memory_space<hbm>>
      %dma_wait3A_47 = tpu.memref_squeeze %dma_wait3A_46 : memref<1x79x128xi32, #tpu.memory_space<hbm>> -> memref<79x128xi32, #tpu.memory_space<hbm>>
      %dma_wait3A_48 = arith.constant 0 : i32
      %dma_wait3A_49 = arith.constant 0 : i32
      %dma_wait3A_50 = tpu.memref_slice %dma_wait3A_47[%dma_wait3A_48, %dma_wait3A_49] : memref<79x128xi32, #tpu.memory_space<hbm>> -> memref<79x128xi32, #tpu.memory_space<hbm>>
      tpu.wait_dma2 semaphore(%run_scoped3A : memref<!tpu.dma_semaphore, #tpu.memory_space<semaphore_mem>>) src(%dma_wait3A_50 : memref<79x128xi32, #tpu.memory_space<hbm>>) dst(%arg7 : memref<79x128xi32, #tpu.memory_space<vmem>>)
      tpu.yield
    }) : () -> ()
    %scan3A_18 = arith.constant 0 : i32
    %scan3A_19 = arith.constant 0 : i32
    %scan3A_20 = arith.constant 79 : i32
    %scan3A_21 = arith.addi %scan3A_19, %scan3A_20 : i32
    %scan3A_22 = arith.constant 1 : i32
    scf.for %scan3A_25 = %scan3A_19 to %scan3A_21 step %scan3A_22  : i32 {
      %dma_start3A = arith.constant 0 : i32
      %dma_start3A_26 = tpu.memref_slice %arg6[%scan3A_25, %dma_start3A] : memref<79x128xi32, #tpu.memory_space<vmem>> -> memref<1x128xi32, #tpu.memory_space<vmem>>
      %dma_start3A_27 = tpu.memref_squeeze %dma_start3A_26 : memref<1x128xi32, #tpu.memory_space<vmem>> -> memref<128xi32, #tpu.memory_space<vmem>>
      %dma_start3A_28 = arith.constant 0 : i32
      %dma_start3A_29 = arith.constant 0 : i32
      %dma_start3A_30 = tpu.memref_slice %arg2[%dma_start3A_28, %dma_start3A_29] : memref<10000x128xf32, #tpu.memory_space<hbm>> -> memref<10000x128xf32, #tpu.memory_space<hbm>>
      tpu.enqueue_indirect_dma source(%dma_start3A_30 : memref<10000x128xf32, #tpu.memory_space<hbm>>) target(%arg8 : memref<128x128xf32, #tpu.memory_space<vmem>>) offsets(%dma_start3A_27 : memref<128xi32, #tpu.memory_space<vmem>>) semaphore(%arg10 : memref<!tpu.dma_semaphore, #tpu.memory_space<semaphore_mem>>)
      %dma_wait3A = arith.constant 0 : i32
      %dma_wait3A_31 = tpu.memref_slice %arg6[%scan3A_25, %dma_wait3A] : memref<79x128xi32, #tpu.memory_space<vmem>> -> memref<1x128xi32, #tpu.memory_space<vmem>>
      %dma_wait3A_32 = tpu.memref_squeeze %dma_wait3A_31 : memref<1x128xi32, #tpu.memory_space<vmem>> -> memref<128xi32, #tpu.memory_space<vmem>>
      %dma_wait3A_33 = arith.constant 0 : i32
      %dma_wait3A_34 = arith.constant 0 : i32
      %dma_wait3A_35 = tpu.memref_slice %arg2[%dma_wait3A_33, %dma_wait3A_34] : memref<10000x128xf32, #tpu.memory_space<hbm>> -> memref<10000x128xf32, #tpu.memory_space<hbm>>
      tpu.wait_indirect_dma semaphore(%arg10 : memref<!tpu.dma_semaphore, #tpu.memory_space<semaphore_mem>>) src(%dma_wait3A_35 : memref<10000x128xf32, #tpu.memory_space<hbm>>) dst(%arg8 : memref<128x128xf32, #tpu.memory_space<vmem>>)
      "tpu.region"() ({
        %run_scoped3A = tpu.sem_alloc : memref<!tpu.dma_semaphore, #tpu.memory_space<semaphore_mem>>
        %dma_start3A_36 = arith.constant 0 : i32
        %dma_start3A_37 = tpu.memref_slice %arg7[%scan3A_25, %dma_start3A_36] : memref<79x128xi32, #tpu.memory_space<vmem>> -> memref<1x128xi32, #tpu.memory_space<vmem>>
        %dma_start3A_38 = tpu.memref_squeeze %dma_start3A_37 : memref<1x128xi32, #tpu.memory_space<vmem>> -> memref<128xi32, #tpu.memory_space<vmem>>
        %dma_start3A_39 = arith.constant 0 : i32
        %dma_start3A_40 = arith.constant 0 : i32
        %dma_start3A_41 = tpu.memref_slice %arg9[%dma_start3A_39, %dma_start3A_40] : memref<10240x128xf32, #tpu.memory_space<vmem_shared>> -> memref<10240x128xf32, #tpu.memory_space<vmem_shared>>
        tpu.enqueue_indirect_dma source(%arg8 : memref<128x128xf32, #tpu.memory_space<vmem>>) target(%dma_start3A_41 : memref<10240x128xf32, #tpu.memory_space<vmem_shared>>) offsets(%dma_start3A_38 : memref<128xi32, #tpu.memory_space<vmem>>) semaphore(%run_scoped3A : memref<!tpu.dma_semaphore, #tpu.memory_space<semaphore_mem>>) {add = true}
        %dma_wait3A_42 = arith.constant 0 : i32
        %dma_wait3A_43 = tpu.memref_slice %arg7[%scan3A_25, %dma_wait3A_42] : memref<79x128xi32, #tpu.memory_space<vmem>> -> memref<1x128xi32, #tpu.memory_space<vmem>>
        %dma_wait3A_44 = tpu.memref_squeeze %dma_wait3A_43 : memref<1x128xi32, #tpu.memory_space<vmem>> -> memref<128xi32, #tpu.memory_space<vmem>>
        %dma_wait3A_45 = arith.constant 0 : i32
        %dma_wait3A_46 = arith.constant 0 : i32
        %dma_wait3A_47 = tpu.memref_slice %arg9[%dma_wait3A_45, %dma_wait3A_46] : memref<10240x128xf32, #tpu.memory_space<vmem_shared>> -> memref<10240x128xf32, #tpu.memory_space<vmem_shared>>
        tpu.wait_indirect_dma semaphore(%run_scoped3A : memref<!tpu.dma_semaphore, #tpu.memory_space<semaphore_mem>>) src(%arg8 : memref<128x128xf32, #tpu.memory_space<vmem>>) dst(%dma_wait3A_47 : memref<10240x128xf32, #tpu.memory_space<vmem_shared>>)
        tpu.yield
      }) : () -> ()
    }
    %scan3A_23 = arith.constant 79 : i32
    %barrier3A_24 = arith.constant 0 : index
    tpu.barrier barrier_id(%barrier3A_24)
    "tpu.region"() ({
      %run_scoped3A = tpu.sem_alloc : memref<!tpu.dma_semaphore, #tpu.memory_space<semaphore_mem>>
      %dma_start3A = arith.constant 0 : i32
      %dma_start3A_25 = arith.constant 0 : i32
      %dma_start3A_26 = tpu.memref_slice %arg5[%arg0, %dma_start3A, %dma_start3A_25] : memref<2x10240x128xf32, #tpu.memory_space<hbm>> -> memref<1x10240x128xf32, #tpu.memory_space<hbm>>
      %dma_start3A_27 = tpu.memref_squeeze %dma_start3A_26 : memref<1x10240x128xf32, #tpu.memory_space<hbm>> -> memref<10240x128xf32, #tpu.memory_space<hbm>>
      %dma_start3A_28 = arith.constant 0 : i32
      %dma_start3A_29 = tpu.memref_slice %dma_start3A_27[%mul3A_7, %dma_start3A_28] : memref<10240x128xf32, #tpu.memory_space<hbm>> -> memref<640x128xf32, #tpu.memory_space<hbm>>
      %dma_start3A_30 = arith.constant 0 : i32
      %dma_start3A_31 = tpu.memref_slice %arg9[%mul3A_7, %dma_start3A_30] : memref<10240x128xf32, #tpu.memory_space<vmem_shared>> -> memref<640x128xf32, #tpu.memory_space<vmem_shared>>
      tpu.enqueue_dma source(%dma_start3A_31 : memref<640x128xf32, #tpu.memory_space<vmem_shared>>) target(%dma_start3A_29 : memref<640x128xf32, #tpu.memory_space<hbm>>) target_semaphore(%run_scoped3A : memref<!tpu.dma_semaphore, #tpu.memory_space<semaphore_mem>>)
      %dma_wait3A = arith.constant 0 : i32
      %dma_wait3A_32 = arith.constant 0 : i32
      %dma_wait3A_33 = tpu.memref_slice %arg5[%arg0, %dma_wait3A, %dma_wait3A_32] : memref<2x10240x128xf32, #tpu.memory_space<hbm>> -> memref<1x10240x128xf32, #tpu.memory_space<hbm>>
      %dma_wait3A_34 = tpu.memref_squeeze %dma_wait3A_33 : memref<1x10240x128xf32, #tpu.memory_space<hbm>> -> memref<10240x128xf32, #tpu.memory_space<hbm>>
      %dma_wait3A_35 = arith.constant 0 : i32
      %dma_wait3A_36 = tpu.memref_slice %dma_wait3A_34[%mul3A_7, %dma_wait3A_35] : memref<10240x128xf32, #tpu.memory_space<hbm>> -> memref<640x128xf32, #tpu.memory_space<hbm>>
      %dma_wait3A_37 = arith.constant 0 : i32
      %dma_wait3A_38 = tpu.memref_slice %arg9[%mul3A_7, %dma_wait3A_37] : memref<10240x128xf32, #tpu.memory_space<vmem_shared>> -> memref<640x128xf32, #tpu.memory_space<vmem_shared>>
      tpu.wait_dma2 semaphore(%run_scoped3A : memref<!tpu.dma_semaphore, #tpu.memory_space<semaphore_mem>>) src(%dma_wait3A_38 : memref<640x128xf32, #tpu.memory_space<vmem_shared>>) dst(%dma_wait3A_36 : memref<640x128xf32, #tpu.memory_space<hbm>>)
      tpu.yield
    }) : () -> ()
    return
  }
}

#map = affine_map<(d0, d1) -> (0, 0, 0)>
module attributes {stable_mosaic.version = 14 : i64} {
  func.func @body(%arg0: i32, %arg1: i32, %arg2: memref<32x79x128xi32, #tpu.memory_space<hbm>>, %arg3: memref<2x16x10240xf32, #tpu.memory_space<hbm>>, %arg4: memref<79x128xi32, #tpu.memory_space<vmem>>, %arg5: memref<10240xf32, #tpu.memory_space<vmem>>) attributes {dimension_semantics = [#tpu.dimension_semantics<core_parallel>, #tpu.dimension_semantics<subcore_parallel>], iteration_bounds = array<i64: 2, 16>, scalar_prefetch = 0 : i64, scratch_operands = 2 : i64, tpu.core_type = #tpu.core_type<sc_vector_subcore>, window_params = [{transform_indices = #map}, {transform_indices = #map}]} {
    %mul3A = arith.constant 2 : i32
    %mul3A_0 = arith.muli %arg1, %mul3A : i32
    %add3A = arith.addi %mul3A_0, %arg0 : i32
    "tpu.region"() ({
      %run_scoped3A = tpu.sem_alloc : memref<!tpu.dma_semaphore, #tpu.memory_space<semaphore_mem>>
      %dma_start3A = arith.constant 0 : i32
      %dma_start3A_13 = arith.constant 0 : i32
      %dma_start3A_14 = tpu.memref_slice %arg2[%add3A, %dma_start3A, %dma_start3A_13] : memref<32x79x128xi32, #tpu.memory_space<hbm>> -> memref<1x79x128xi32, #tpu.memory_space<hbm>>
      %dma_start3A_15 = tpu.memref_squeeze %dma_start3A_14 : memref<1x79x128xi32, #tpu.memory_space<hbm>> -> memref<79x128xi32, #tpu.memory_space<hbm>>
      %dma_start3A_16 = arith.constant 0 : i32
      %dma_start3A_17 = arith.constant 0 : i32
      %dma_start3A_18 = tpu.memref_slice %arg2[%add3A, %dma_start3A_16, %dma_start3A_17] : memref<32x79x128xi32, #tpu.memory_space<hbm>> -> memref<1x79x128xi32, #tpu.memory_space<hbm>>
      %dma_start3A_19 = tpu.memref_squeeze %dma_start3A_18 : memref<1x79x128xi32, #tpu.memory_space<hbm>> -> memref<79x128xi32, #tpu.memory_space<hbm>>
      tpu.enqueue_dma source(%dma_start3A_19 : memref<79x128xi32, #tpu.memory_space<hbm>>) target(%arg4 : memref<79x128xi32, #tpu.memory_space<vmem>>) target_semaphore(%run_scoped3A : memref<!tpu.dma_semaphore, #tpu.memory_space<semaphore_mem>>)
      %dma_wait3A = arith.constant 0 : i32
      %dma_wait3A_20 = arith.constant 0 : i32
      %dma_wait3A_21 = tpu.memref_slice %arg2[%add3A, %dma_wait3A, %dma_wait3A_20] : memref<32x79x128xi32, #tpu.memory_space<hbm>> -> memref<1x79x128xi32, #tpu.memory_space<hbm>>
      %dma_wait3A_22 = tpu.memref_squeeze %dma_wait3A_21 : memref<1x79x128xi32, #tpu.memory_space<hbm>> -> memref<79x128xi32, #tpu.memory_space<hbm>>
      %dma_wait3A_23 = arith.constant 0 : i32
      %dma_wait3A_24 = arith.constant 0 : i32
      %dma_wait3A_25 = tpu.memref_slice %arg2[%add3A, %dma_wait3A_23, %dma_wait3A_24] : memref<32x79x128xi32, #tpu.memory_space<hbm>> -> memref<1x79x128xi32, #tpu.memory_space<hbm>>
      %dma_wait3A_26 = tpu.memref_squeeze %dma_wait3A_25 : memref<1x79x128xi32, #tpu.memory_space<hbm>> -> memref<79x128xi32, #tpu.memory_space<hbm>>
      tpu.wait_dma2 semaphore(%run_scoped3A : memref<!tpu.dma_semaphore, #tpu.memory_space<semaphore_mem>>) src(%dma_wait3A_26 : memref<79x128xi32, #tpu.memory_space<hbm>>) dst(%arg4 : memref<79x128xi32, #tpu.memory_space<vmem>>)
      tpu.yield
    }) : () -> ()
    %scan3A = arith.constant 0 : i32
    %scan3A_1 = arith.constant 0 : i32
    %scan3A_2 = arith.constant 640 : i32
    %scan3A_3 = arith.addi %scan3A_1, %scan3A_2 : i32
    %scan3A_4 = arith.constant 1 : i32
    scf.for %scan3A_13 = %scan3A_1 to %scan3A_3 step %scan3A_4  : i32 {
      %broadcast_in_dim3A_14 = arith.constant 0.000000e+00 : f32
      %broadcast_in_dim3A_15 = vector.broadcast %broadcast_in_dim3A_14 : f32 to vector<16xf32>
      %mul3A_16 = arith.constant 16 : i32
      %mul3A_17 = arith.muli %scan3A_13, %mul3A_16 : i32
      %swap3A = arith.index_cast %mul3A_17 : i32 to index
      %swap3A_18 = tpu.vector_load %arg5[%swap3A] {strides = array<i32>} : memref<10240xf32, #tpu.memory_space<vmem>>, vector<16xf32>,
      tpu.vector_store %arg5[%swap3A], %broadcast_in_dim3A_15 {strides = array<i32>} : memref<10240xf32, #tpu.memory_space<vmem>>, vector<16xf32>,
    }
    %scan3A_5 = arith.constant 640 : i32
    %broadcast_in_dim3A = arith.constant 1.000000e+00 : f32
    %broadcast_in_dim3A_6 = vector.broadcast %broadcast_in_dim3A : f32 to vector<16xf32>
    %scan3A_7 = arith.constant 0 : i32
    %scan3A_8 = arith.constant 0 : i32
    %scan3A_9 = arith.constant 632 : i32
    %scan3A_10 = arith.addi %scan3A_8, %scan3A_9 : i32
    %scan3A_11 = arith.constant 1 : i32
    scf.for %scan3A_13 = %scan3A_8 to %scan3A_10 step %scan3A_11  : i32 {
      %jit3A = arith.constant 8 : i32
      %div3A = arith.divsi %scan3A_13, %jit3A : i32
      %sign3A = arith.constant 0 : i32
      %sign3A_14 = arith.cmpi sgt, %scan3A_13, %sign3A : i32
      %sign3A_15 = arith.extui %sign3A_14 : i1 to i32
      %sign3A_16 = arith.constant 0 : i32
      %sign3A_17 = arith.cmpi slt, %scan3A_13, %sign3A_16 : i32
      %sign3A_18 = arith.extui %sign3A_17 : i1 to i32
      %sign3A_19 = arith.subi %sign3A_15, %sign3A_18 : i32
      %sign3A_20 = arith.constant 0 : i32
      %sign3A_21 = arith.cmpi sgt, %jit3A, %sign3A_20 : i32
      %sign3A_22 = arith.extui %sign3A_21 : i1 to i32
      %sign3A_23 = arith.constant 0 : i32
      %sign3A_24 = arith.cmpi slt, %jit3A, %sign3A_23 : i32
      %sign3A_25 = arith.extui %sign3A_24 : i1 to i32
      %sign3A_26 = arith.subi %sign3A_22, %sign3A_25 : i32
      %ne3A = arith.cmpi ne, %sign3A_19, %sign3A_26 : i32
      %rem3A = arith.remsi %scan3A_13, %jit3A : i32
      %ne3A_27 = arith.constant 0 : i32
      %ne3A_28 = arith.cmpi ne, %rem3A, %ne3A_27 : i32
      %and3A = arith.andi %ne3A, %ne3A_28 : i1
      %sub3A = arith.constant 1 : i32
      %sub3A_29 = arith.subi %div3A, %sub3A : i32
      %select_n3A = arith.select %and3A, %sub3A_29, %div3A : i32
      %jit3A_30 = arith.constant 8 : i32
      %eq3A = arith.constant 0 : i32
      %eq3A_31 = arith.cmpi eq, %jit3A_30, %eq3A : i32
      %jit3A_32 = arith.constant 1 : i32
      %select_n3A_33 = arith.select %eq3A_31, %jit3A_32, %jit3A_30 : i32
      %rem3A_34 = arith.remsi %scan3A_13, %select_n3A_33 : i32
      %ne3A_35 = arith.constant 0 : i32
      %ne3A_36 = arith.cmpi ne, %rem3A_34, %ne3A_35 : i32
      %lt3A = arith.constant 0 : i32
      %lt3A_37 = arith.cmpi slt, %rem3A_34, %lt3A : i32
      %lt3A_38 = arith.constant 0 : i32
      %lt3A_39 = arith.cmpi slt, %select_n3A_33, %lt3A_38 : i32
      %ne3A_40 = arith.xori %lt3A_37, %lt3A_39 : i1
      %and3A_41 = arith.andi %ne3A_40, %ne3A_36 : i1
      %add3A_42 = arith.addi %rem3A_34, %select_n3A_33 : i32
      %select_n3A_43 = arith.select %and3A_41, %add3A_42, %rem3A_34 : i32
      %mul3A_44 = arith.constant 16 : i32
      %mul3A_45 = arith.muli %select_n3A_43, %mul3A_44 : i32
      %get3A = arith.index_cast %select_n3A : i32 to index
      %get3A_46 = arith.index_cast %mul3A_45 : i32 to index
      %get3A_47 = tpu.vector_load %arg4[%get3A, %get3A_46] {strides = array<i32>} : memref<79x128xi32, #tpu.memory_space<vmem>>, vector<16xi32>,
      tpu.vector_store_idx %arg5[%get3A_47], %broadcast_in_dim3A_6 {add = true} : memref<10240xf32, #tpu.memory_space<vmem>>[vector<16xi32>], vector<16xf32>,
    }
    %scan3A_12 = arith.constant 632 : i32
    "tpu.region"() ({
      %run_scoped3A = tpu.sem_alloc : memref<!tpu.dma_semaphore, #tpu.memory_space<semaphore_mem>>
      %dma_start3A = arith.constant 0 : i32
      %dma_start3A_13 = arith.constant 0 : i32
      %dma_start3A_14 = tpu.memref_slice %arg3[%arg0, %dma_start3A, %dma_start3A_13] : memref<2x16x10240xf32, #tpu.memory_space<hbm>> -> memref<1x16x10240xf32, #tpu.memory_space<hbm>>
      %dma_start3A_15 = tpu.memref_squeeze %dma_start3A_14 : memref<1x16x10240xf32, #tpu.memory_space<hbm>> -> memref<16x10240xf32, #tpu.memory_space<hbm>>
      %dma_start3A_16 = arith.constant 0 : i32
      %dma_start3A_17 = tpu.memref_slice %dma_start3A_15[%arg1, %dma_start3A_16] : memref<16x10240xf32, #tpu.memory_space<hbm>> -> memref<1x10240xf32, #tpu.memory_space<hbm>>
      %dma_start3A_18 = tpu.memref_squeeze %dma_start3A_17 : memref<1x10240xf32, #tpu.memory_space<hbm>> -> memref<10240xf32, #tpu.memory_space<hbm>>
      %dma_start3A_19 = arith.constant 0 : i32
      %dma_start3A_20 = arith.constant 0 : i32
      %dma_start3A_21 = tpu.memref_slice %arg3[%arg0, %dma_start3A_19, %dma_start3A_20] : memref<2x16x10240xf32, #tpu.memory_space<hbm>> -> memref<1x16x10240xf32, #tpu.memory_space<hbm>>
      %dma_start3A_22 = tpu.memref_squeeze %dma_start3A_21 : memref<1x16x10240xf32, #tpu.memory_space<hbm>> -> memref<16x10240xf32, #tpu.memory_space<hbm>>
      %dma_start3A_23 = arith.constant 0 : i32
      %dma_start3A_24 = tpu.memref_slice %dma_start3A_22[%arg1, %dma_start3A_23] : memref<16x10240xf32, #tpu.memory_space<hbm>> -> memref<1x10240xf32, #tpu.memory_space<hbm>>
      %dma_start3A_25 = tpu.memref_squeeze %dma_start3A_24 : memref<1x10240xf32, #tpu.memory_space<hbm>> -> memref<10240xf32, #tpu.memory_space<hbm>>
      tpu.enqueue_dma source(%arg5 : memref<10240xf32, #tpu.memory_space<vmem>>) target(%dma_start3A_25 : memref<10240xf32, #tpu.memory_space<hbm>>) target_semaphore(%run_scoped3A : memref<!tpu.dma_semaphore, #tpu.memory_space<semaphore_mem>>)
      %dma_wait3A = arith.constant 0 : i32
      %dma_wait3A_26 = arith.constant 0 : i32
      %dma_wait3A_27 = tpu.memref_slice %arg3[%arg0, %dma_wait3A, %dma_wait3A_26] : memref<2x16x10240xf32, #tpu.memory_space<hbm>> -> memref<1x16x10240xf32, #tpu.memory_space<hbm>>
      %dma_wait3A_28 = tpu.memref_squeeze %dma_wait3A_27 : memref<1x16x10240xf32, #tpu.memory_space<hbm>> -> memref<16x10240xf32, #tpu.memory_space<hbm>>
      %dma_wait3A_29 = arith.constant 0 : i32
      %dma_wait3A_30 = tpu.memref_slice %dma_wait3A_28[%arg1, %dma_wait3A_29] : memref<16x10240xf32, #tpu.memory_space<hbm>> -> memref<1x10240xf32, #tpu.memory_space<hbm>>
      %dma_wait3A_31 = tpu.memref_squeeze %dma_wait3A_30 : memref<1x10240xf32, #tpu.memory_space<hbm>> -> memref<10240xf32, #tpu.memory_space<hbm>>
      %dma_wait3A_32 = arith.constant 0 : i32
      %dma_wait3A_33 = arith.constant 0 : i32
      %dma_wait3A_34 = tpu.memref_slice %arg3[%arg0, %dma_wait3A_32, %dma_wait3A_33] : memref<2x16x10240xf32, #tpu.memory_space<hbm>> -> memref<1x16x10240xf32, #tpu.memory_space<hbm>>
      %dma_wait3A_35 = tpu.memref_squeeze %dma_wait3A_34 : memref<1x16x10240xf32, #tpu.memory_space<hbm>> -> memref<16x10240xf32, #tpu.memory_space<hbm>>
      %dma_wait3A_36 = arith.constant 0 : i32
      %dma_wait3A_37 = tpu.memref_slice %dma_wait3A_35[%arg1, %dma_wait3A_36] : memref<16x10240xf32, #tpu.memory_space<hbm>> -> memref<1x10240xf32, #tpu.memory_space<hbm>>
      %dma_wait3A_38 = tpu.memref_squeeze %dma_wait3A_37 : memref<1x10240xf32, #tpu.memory_space<hbm>> -> memref<10240xf32, #tpu.memory_space<hbm>>
      tpu.wait_dma2 semaphore(%run_scoped3A : memref<!tpu.dma_semaphore, #tpu.memory_space<semaphore_mem>>) src(%arg5 : memref<10240xf32, #tpu.memory_space<vmem>>) dst(%dma_wait3A_38 : memref<10240xf32, #tpu.memory_space<hbm>>)
      tpu.yield
    }) : () -> ()
    return
  }
}

#map = affine_map<(d0, d1) -> (0, 0)>
#map1 = affine_map<(d0, d1) -> (0, 0, 0)>
module attributes {stable_mosaic.version = 14 : i64} {
  func.func @body(%arg0: i32, %arg1: i32, %arg2: memref<10000x128xf32, #tpu.memory_space<hbm>>, %arg3: memref<32x79x128xi32, #tpu.memory_space<hbm>>, %arg4: memref<32x79x128xi32, #tpu.memory_space<hbm>>, %arg5: memref<2x10240x128xf32, #tpu.memory_space<hbm>>, %arg6: memref<79x128xi32, #tpu.memory_space<vmem>>, %arg7: memref<79x128xi32, #tpu.memory_space<vmem>>, %arg8: memref<128x128xf32, #tpu.memory_space<vmem>>, %arg9: memref<10240x128xf32, #tpu.memory_space<vmem_shared>>, %arg10: memref<!tpu.dma_semaphore, #tpu.memory_space<semaphore_mem>>) attributes {dimension_semantics = [#tpu.dimension_semantics<core_parallel>, #tpu.dimension_semantics<subcore_parallel>], iteration_bounds = array<i64: 2, 16>, scalar_prefetch = 0 : i64, scratch_operands = 5 : i64, tpu.core_type = #tpu.core_type<sc_vector_subcore>, window_params = [{transform_indices = #map}, {transform_indices = #map1}, {transform_indices = #map1}, {transform_indices = #map1}]} {
    %mul3A = arith.constant 2 : i32
    %mul3A_0 = arith.muli %arg1, %mul3A : i32
    %add3A = arith.addi %mul3A_0, %arg0 : i32
    %scan3A = arith.constant 0 : i32
    %scan3A_1 = arith.constant 0 : i32
    %scan3A_2 = arith.constant 1024 : i32
    %scan3A_3 = arith.addi %scan3A_1, %scan3A_2 : i32
    %scan3A_4 = arith.constant 1 : i32
    scf.for %scan3A_25 = %scan3A_1 to %scan3A_3 step %scan3A_4  : i32 {
      %broadcast_in_dim3A = arith.constant 0.000000e+00 : f32
      %broadcast_in_dim3A_26 = vector.broadcast %broadcast_in_dim3A : f32 to vector<16xf32>
      %jit3A = arith.constant 8 : i32
      %div3A = arith.divsi %scan3A_25, %jit3A : i32
      %sign3A = arith.constant 0 : i32
      %sign3A_27 = arith.cmpi sgt, %scan3A_25, %sign3A : i32
      %sign3A_28 = arith.extui %sign3A_27 : i1 to i32
      %sign3A_29 = arith.constant 0 : i32
      %sign3A_30 = arith.cmpi slt, %scan3A_25, %sign3A_29 : i32
      %sign3A_31 = arith.extui %sign3A_30 : i1 to i32
      %sign3A_32 = arith.subi %sign3A_28, %sign3A_31 : i32
      %sign3A_33 = arith.constant 0 : i32
      %sign3A_34 = arith.cmpi sgt, %jit3A, %sign3A_33 : i32
      %sign3A_35 = arith.extui %sign3A_34 : i1 to i32
      %sign3A_36 = arith.constant 0 : i32
      %sign3A_37 = arith.cmpi slt, %jit3A, %sign3A_36 : i32
      %sign3A_38 = arith.extui %sign3A_37 : i1 to i32
      %sign3A_39 = arith.subi %sign3A_35, %sign3A_38 : i32
      %ne3A = arith.cmpi ne, %sign3A_32, %sign3A_39 : i32
      %rem3A = arith.remsi %scan3A_25, %jit3A : i32
      %ne3A_40 = arith.constant 0 : i32
      %ne3A_41 = arith.cmpi ne, %rem3A, %ne3A_40 : i32
      %and3A = arith.andi %ne3A, %ne3A_41 : i1
      %sub3A = arith.constant 1 : i32
      %sub3A_42 = arith.subi %div3A, %sub3A : i32
      %select_n3A = arith.select %and3A, %sub3A_42, %div3A : i32
      %jit3A_43 = arith.constant 8 : i32
      %eq3A = arith.constant 0 : i32
      %eq3A_44 = arith.cmpi eq, %jit3A_43, %eq3A : i32
      %jit3A_45 = arith.constant 1 : i32
      %select_n3A_46 = arith.select %eq3A_44, %jit3A_45, %jit3A_43 : i32
      %rem3A_47 = arith.remsi %scan3A_25, %select_n3A_46 : i32
      %ne3A_48 = arith.constant 0 : i32
      %ne3A_49 = arith.cmpi ne, %rem3A_47, %ne3A_48 : i32
      %lt3A = arith.constant 0 : i32
      %lt3A_50 = arith.cmpi slt, %rem3A_47, %lt3A : i32
      %lt3A_51 = arith.constant 0 : i32
      %lt3A_52 = arith.cmpi slt, %select_n3A_46, %lt3A_51 : i32
      %ne3A_53 = arith.xori %lt3A_50, %lt3A_52 : i1
      %and3A_54 = arith.andi %ne3A_53, %ne3A_49 : i1
      %add3A_55 = arith.addi %rem3A_47, %select_n3A_46 : i32
      %select_n3A_56 = arith.select %and3A_54, %add3A_55, %rem3A_47 : i32
      %mul3A_57 = arith.constant 16 : i32
      %mul3A_58 = arith.muli %select_n3A_56, %mul3A_57 : i32
      %swap3A = arith.index_cast %select_n3A : i32 to index
      %swap3A_59 = arith.index_cast %mul3A_58 : i32 to index
      %swap3A_60 = tpu.vector_load %arg8[%swap3A, %swap3A_59] {strides = array<i32>} : memref<128x128xf32, #tpu.memory_space<vmem>>, vector<1x16xf32>,
      %swap3A_61 = vector.shape_cast %swap3A_60 : vector<1x16xf32> to vector<16xf32>
      %swap3A_62 = vector.shape_cast %broadcast_in_dim3A_26 : vector<16xf32> to vector<1x16xf32>
      tpu.vector_store %arg8[%swap3A, %swap3A_59], %swap3A_62 {strides = array<i32>} : memref<128x128xf32, #tpu.memory_space<vmem>>, vector<1x16xf32>,
    }
    %scan3A_5 = arith.constant 1024 : i32
    %mul3A_6 = arith.constant 640 : i32
    %mul3A_7 = arith.muli %arg1, %mul3A_6 : i32
    %add3A_8 = arith.constant 0 : i32
    %add3A_9 = arith.addi %mul3A_7, %add3A_8 : i32
    "tpu.region"() ({
      %run_scoped3A = tpu.sem_alloc : memref<!tpu.dma_semaphore, #tpu.memory_space<semaphore_mem>>
      %dma_start3A = arith.constant 0 : i32
      %dma_start3A_25 = tpu.memref_slice %arg9[%add3A_9, %dma_start3A] : memref<10240x128xf32, #tpu.memory_space<vmem_shared>> -> memref<128x128xf32, #tpu.memory_space<vmem_shared>>
      %dma_start3A_26 = arith.constant 0 : i32
      %dma_start3A_27 = tpu.memref_slice %arg9[%add3A_9, %dma_start3A_26] : memref<10240x128xf32, #tpu.memory_space<vmem_shared>> -> memref<128x128xf32, #tpu.memory_space<vmem_shared>>
      tpu.enqueue_dma source(%arg8 : memref<128x128xf32, #tpu.memory_space<vmem>>) target(%dma_start3A_27 : memref<128x128xf32, #tpu.memory_space<vmem_shared>>) target_semaphore(%run_scoped3A : memref<!tpu.dma_semaphore, #tpu.memory_space<semaphore_mem>>)
      %dma_wait3A = arith.constant 0 : i32
      %dma_wait3A_28 = tpu.memref_slice %arg9[%add3A_9, %dma_wait3A] : memref<10240x128xf32, #tpu.memory_space<vmem_shared>> -> memref<128x128xf32, #tpu.memory_space<vmem_shared>>
      %dma_wait3A_29 = arith.constant 0 : i32
      %dma_wait3A_30 = tpu.memref_slice %arg9[%add3A_9, %dma_wait3A_29] : memref<10240x128xf32, #tpu.memory_space<vmem_shared>> -> memref<128x128xf32, #tpu.memory_space<vmem_shared>>
      tpu.wait_dma2 semaphore(%run_scoped3A : memref<!tpu.dma_semaphore, #tpu.memory_space<semaphore_mem>>) src(%arg8 : memref<128x128xf32, #tpu.memory_space<vmem>>) dst(%dma_wait3A_30 : memref<128x128xf32, #tpu.memory_space<vmem_shared>>)
      tpu.yield
    }) : () -> ()
    %add3A_10 = arith.constant 128 : i32
    %add3A_11 = arith.addi %mul3A_7, %add3A_10 : i32
    "tpu.region"() ({
      %run_scoped3A = tpu.sem_alloc : memref<!tpu.dma_semaphore, #tpu.memory_space<semaphore_mem>>
      %dma_start3A = arith.constant 0 : i32
      %dma_start3A_25 = tpu.memref_slice %arg9[%add3A_11, %dma_start3A] : memref<10240x128xf32, #tpu.memory_space<vmem_shared>> -> memref<128x128xf32, #tpu.memory_space<vmem_shared>>
      %dma_start3A_26 = arith.constant 0 : i32
      %dma_start3A_27 = tpu.memref_slice %arg9[%add3A_11, %dma_start3A_26] : memref<10240x128xf32, #tpu.memory_space<vmem_shared>> -> memref<128x128xf32, #tpu.memory_space<vmem_shared>>
      tpu.enqueue_dma source(%arg8 : memref<128x128xf32, #tpu.memory_space<vmem>>) target(%dma_start3A_27 : memref<128x128xf32, #tpu.memory_space<vmem_shared>>) target_semaphore(%run_scoped3A : memref<!tpu.dma_semaphore, #tpu.memory_space<semaphore_mem>>)
      %dma_wait3A = arith.constant 0 : i32
      %dma_wait3A_28 = tpu.memref_slice %arg9[%add3A_11, %dma_wait3A] : memref<10240x128xf32, #tpu.memory_space<vmem_shared>> -> memref<128x128xf32, #tpu.memory_space<vmem_shared>>
      %dma_wait3A_29 = arith.constant 0 : i32
      %dma_wait3A_30 = tpu.memref_slice %arg9[%add3A_11, %dma_wait3A_29] : memref<10240x128xf32, #tpu.memory_space<vmem_shared>> -> memref<128x128xf32, #tpu.memory_space<vmem_shared>>
      tpu.wait_dma2 semaphore(%run_scoped3A : memref<!tpu.dma_semaphore, #tpu.memory_space<semaphore_mem>>) src(%arg8 : memref<128x128xf32, #tpu.memory_space<vmem>>) dst(%dma_wait3A_30 : memref<128x128xf32, #tpu.memory_space<vmem_shared>>)
      tpu.yield
    }) : () -> ()
    %add3A_12 = arith.constant 256 : i32
    %add3A_13 = arith.addi %mul3A_7, %add3A_12 : i32
    "tpu.region"() ({
      %run_scoped3A = tpu.sem_alloc : memref<!tpu.dma_semaphore, #tpu.memory_space<semaphore_mem>>
      %dma_start3A = arith.constant 0 : i32
      %dma_start3A_25 = tpu.memref_slice %arg9[%add3A_13, %dma_start3A] : memref<10240x128xf32, #tpu.memory_space<vmem_shared>> -> memref<128x128xf32, #tpu.memory_space<vmem_shared>>
      %dma_start3A_26 = arith.constant 0 : i32
      %dma_start3A_27 = tpu.memref_slice %arg9[%add3A_13, %dma_start3A_26] : memref<10240x128xf32, #tpu.memory_space<vmem_shared>> -> memref<128x128xf32, #tpu.memory_space<vmem_shared>>
      tpu.enqueue_dma source(%arg8 : memref<128x128xf32, #tpu.memory_space<vmem>>) target(%dma_start3A_27 : memref<128x128xf32, #tpu.memory_space<vmem_shared>>) target_semaphore(%run_scoped3A : memref<!tpu.dma_semaphore, #tpu.memory_space<semaphore_mem>>)
      %dma_wait3A = arith.constant 0 : i32
      %dma_wait3A_28 = tpu.memref_slice %arg9[%add3A_13, %dma_wait3A] : memref<10240x128xf32, #tpu.memory_space<vmem_shared>> -> memref<128x128xf32, #tpu.memory_space<vmem_shared>>
      %dma_wait3A_29 = arith.constant 0 : i32
      %dma_wait3A_30 = tpu.memref_slice %arg9[%add3A_13, %dma_wait3A_29] : memref<10240x128xf32, #tpu.memory_space<vmem_shared>> -> memref<128x128xf32, #tpu.memory_space<vmem_shared>>
      tpu.wait_dma2 semaphore(%run_scoped3A : memref<!tpu.dma_semaphore, #tpu.memory_space<semaphore_mem>>) src(%arg8 : memref<128x128xf32, #tpu.memory_space<vmem>>) dst(%dma_wait3A_30 : memref<128x128xf32, #tpu.memory_space<vmem_shared>>)
      tpu.yield
    }) : () -> ()
    %add3A_14 = arith.constant 384 : i32
    %add3A_15 = arith.addi %mul3A_7, %add3A_14 : i32
    "tpu.region"() ({
      %run_scoped3A = tpu.sem_alloc : memref<!tpu.dma_semaphore, #tpu.memory_space<semaphore_mem>>
      %dma_start3A = arith.constant 0 : i32
      %dma_start3A_25 = tpu.memref_slice %arg9[%add3A_15, %dma_start3A] : memref<10240x128xf32, #tpu.memory_space<vmem_shared>> -> memref<128x128xf32, #tpu.memory_space<vmem_shared>>
      %dma_start3A_26 = arith.constant 0 : i32
      %dma_start3A_27 = tpu.memref_slice %arg9[%add3A_15, %dma_start3A_26] : memref<10240x128xf32, #tpu.memory_space<vmem_shared>> -> memref<128x128xf32, #tpu.memory_space<vmem_shared>>
      tpu.enqueue_dma source(%arg8 : memref<128x128xf32, #tpu.memory_space<vmem>>) target(%dma_start3A_27 : memref<128x128xf32, #tpu.memory_space<vmem_shared>>) target_semaphore(%run_scoped3A : memref<!tpu.dma_semaphore, #tpu.memory_space<semaphore_mem>>)
      %dma_wait3A = arith.constant 0 : i32
      %dma_wait3A_28 = tpu.memref_slice %arg9[%add3A_15, %dma_wait3A] : memref<10240x128xf32, #tpu.memory_space<vmem_shared>> -> memref<128x128xf32, #tpu.memory_space<vmem_shared>>
      %dma_wait3A_29 = arith.constant 0 : i32
      %dma_wait3A_30 = tpu.memref_slice %arg9[%add3A_15, %dma_wait3A_29] : memref<10240x128xf32, #tpu.memory_space<vmem_shared>> -> memref<128x128xf32, #tpu.memory_space<vmem_shared>>
      tpu.wait_dma2 semaphore(%run_scoped3A : memref<!tpu.dma_semaphore, #tpu.memory_space<semaphore_mem>>) src(%arg8 : memref<128x128xf32, #tpu.memory_space<vmem>>) dst(%dma_wait3A_30 : memref<128x128xf32, #tpu.memory_space<vmem_shared>>)
      tpu.yield
    }) : () -> ()
    %add3A_16 = arith.constant 512 : i32
    %add3A_17 = arith.addi %mul3A_7, %add3A_16 : i32
    "tpu.region"() ({
      %run_scoped3A = tpu.sem_alloc : memref<!tpu.dma_semaphore, #tpu.memory_space<semaphore_mem>>
      %dma_start3A = arith.constant 0 : i32
      %dma_start3A_25 = tpu.memref_slice %arg9[%add3A_17, %dma_start3A] : memref<10240x128xf32, #tpu.memory_space<vmem_shared>> -> memref<128x128xf32, #tpu.memory_space<vmem_shared>>
      %dma_start3A_26 = arith.constant 0 : i32
      %dma_start3A_27 = tpu.memref_slice %arg9[%add3A_17, %dma_start3A_26] : memref<10240x128xf32, #tpu.memory_space<vmem_shared>> -> memref<128x128xf32, #tpu.memory_space<vmem_shared>>
      tpu.enqueue_dma source(%arg8 : memref<128x128xf32, #tpu.memory_space<vmem>>) target(%dma_start3A_27 : memref<128x128xf32, #tpu.memory_space<vmem_shared>>) target_semaphore(%run_scoped3A : memref<!tpu.dma_semaphore, #tpu.memory_space<semaphore_mem>>)
      %dma_wait3A = arith.constant 0 : i32
      %dma_wait3A_28 = tpu.memref_slice %arg9[%add3A_17, %dma_wait3A] : memref<10240x128xf32, #tpu.memory_space<vmem_shared>> -> memref<128x128xf32, #tpu.memory_space<vmem_shared>>
      %dma_wait3A_29 = arith.constant 0 : i32
      %dma_wait3A_30 = tpu.memref_slice %arg9[%add3A_17, %dma_wait3A_29] : memref<10240x128xf32, #tpu.memory_space<vmem_shared>> -> memref<128x128xf32, #tpu.memory_space<vmem_shared>>
      tpu.wait_dma2 semaphore(%run_scoped3A : memref<!tpu.dma_semaphore, #tpu.memory_space<semaphore_mem>>) src(%arg8 : memref<128x128xf32, #tpu.memory_space<vmem>>) dst(%dma_wait3A_30 : memref<128x128xf32, #tpu.memory_space<vmem_shared>>)
      tpu.yield
    }) : () -> ()
    %barrier3A = arith.constant 0 : index
    tpu.barrier barrier_id(%barrier3A)
    "tpu.region"() ({
      %run_scoped3A = tpu.sem_alloc : memref<!tpu.dma_semaphore, #tpu.memory_space<semaphore_mem>>
      %dma_start3A = arith.constant 0 : i32
      %dma_start3A_25 = arith.constant 0 : i32
      %dma_start3A_26 = tpu.memref_slice %arg3[%add3A, %dma_start3A, %dma_start3A_25] : memref<32x79x128xi32, #tpu.memory_space<hbm>> -> memref<1x79x128xi32, #tpu.memory_space<hbm>>
      %dma_start3A_27 = tpu.memref_squeeze %dma_start3A_26 : memref<1x79x128xi32, #tpu.memory_space<hbm>> -> memref<79x128xi32, #tpu.memory_space<hbm>>
      %dma_start3A_28 = arith.constant 0 : i32
      %dma_start3A_29 = arith.constant 0 : i32
      %dma_start3A_30 = tpu.memref_slice %dma_start3A_27[%dma_start3A_28, %dma_start3A_29] : memref<79x128xi32, #tpu.memory_space<hbm>> -> memref<79x128xi32, #tpu.memory_space<hbm>>
      %dma_start3A_31 = arith.constant 0 : i32
      %dma_start3A_32 = arith.constant 0 : i32
      %dma_start3A_33 = tpu.memref_slice %arg3[%add3A, %dma_start3A_31, %dma_start3A_32] : memref<32x79x128xi32, #tpu.memory_space<hbm>> -> memref<1x79x128xi32, #tpu.memory_space<hbm>>
      %dma_start3A_34 = tpu.memref_squeeze %dma_start3A_33 : memref<1x79x128xi32, #tpu.memory_space<hbm>> -> memref<79x128xi32, #tpu.memory_space<hbm>>
      %dma_start3A_35 = arith.constant 0 : i32
      %dma_start3A_36 = arith.constant 0 : i32
      %dma_start3A_37 = tpu.memref_slice %dma_start3A_34[%dma_start3A_35, %dma_start3A_36] : memref<79x128xi32, #tpu.memory_space<hbm>> -> memref<79x128xi32, #tpu.memory_space<hbm>>
      tpu.enqueue_dma source(%dma_start3A_37 : memref<79x128xi32, #tpu.memory_space<hbm>>) target(%arg6 : memref<79x128xi32, #tpu.memory_space<vmem>>) target_semaphore(%run_scoped3A : memref<!tpu.dma_semaphore, #tpu.memory_space<semaphore_mem>>)
      %dma_wait3A = arith.constant 0 : i32
      %dma_wait3A_38 = arith.constant 0 : i32
      %dma_wait3A_39 = tpu.memref_slice %arg3[%add3A, %dma_wait3A, %dma_wait3A_38] : memref<32x79x128xi32, #tpu.memory_space<hbm>> -> memref<1x79x128xi32, #tpu.memory_space<hbm>>
      %dma_wait3A_40 = tpu.memref_squeeze %dma_wait3A_39 : memref<1x79x128xi32, #tpu.memory_space<hbm>> -> memref<79x128xi32, #tpu.memory_space<hbm>>
      %dma_wait3A_41 = arith.constant 0 : i32
      %dma_wait3A_42 = arith.constant 0 : i32
      %dma_wait3A_43 = tpu.memref_slice %dma_wait3A_40[%dma_wait3A_41, %dma_wait3A_42] : memref<79x128xi32, #tpu.memory_space<hbm>> -> memref<79x128xi32, #tpu.memory_space<hbm>>
      %dma_wait3A_44 = arith.constant 0 : i32
      %dma_wait3A_45 = arith.constant 0 : i32
      %dma_wait3A_46 = tpu.memref_slice %arg3[%add3A, %dma_wait3A_44, %dma_wait3A_45] : memref<32x79x128xi32, #tpu.memory_space<hbm>> -> memref<1x79x128xi32, #tpu.memory_space<hbm>>
      %dma_wait3A_47 = tpu.memref_squeeze %dma_wait3A_46 : memref<1x79x128xi32, #tpu.memory_space<hbm>> -> memref<79x128xi32, #tpu.memory_space<hbm>>
      %dma_wait3A_48 = arith.constant 0 : i32
      %dma_wait3A_49 = arith.constant 0 : i32
      %dma_wait3A_50 = tpu.memref_slice %dma_wait3A_47[%dma_wait3A_48, %dma_wait3A_49] : memref<79x128xi32, #tpu.memory_space<hbm>> -> memref<79x128xi32, #tpu.memory_space<hbm>>
      tpu.wait_dma2 semaphore(%run_scoped3A : memref<!tpu.dma_semaphore, #tpu.memory_space<semaphore_mem>>) src(%dma_wait3A_50 : memref<79x128xi32, #tpu.memory_space<hbm>>) dst(%arg6 : memref<79x128xi32, #tpu.memory_space<vmem>>)
      tpu.yield
    }) : () -> ()
    "tpu.region"() ({
      %run_scoped3A = tpu.sem_alloc : memref<!tpu.dma_semaphore, #tpu.memory_space<semaphore_mem>>
      %dma_start3A = arith.constant 0 : i32
      %dma_start3A_25 = arith.constant 0 : i32
      %dma_start3A_26 = tpu.memref_slice %arg4[%add3A, %dma_start3A, %dma_start3A_25] : memref<32x79x128xi32, #tpu.memory_space<hbm>> -> memref<1x79x128xi32, #tpu.memory_space<hbm>>
      %dma_start3A_27 = tpu.memref_squeeze %dma_start3A_26 : memref<1x79x128xi32, #tpu.memory_space<hbm>> -> memref<79x128xi32, #tpu.memory_space<hbm>>
      %dma_start3A_28 = arith.constant 0 : i32
      %dma_start3A_29 = arith.constant 0 : i32
      %dma_start3A_30 = tpu.memref_slice %dma_start3A_27[%dma_start3A_28, %dma_start3A_29] : memref<79x128xi32, #tpu.memory_space<hbm>> -> memref<79x128xi32, #tpu.memory_space<hbm>>
      %dma_start3A_31 = arith.constant 0 : i32
      %dma_start3A_32 = arith.constant 0 : i32
      %dma_start3A_33 = tpu.memref_slice %arg4[%add3A, %dma_start3A_31, %dma_start3A_32] : memref<32x79x128xi32, #tpu.memory_space<hbm>> -> memref<1x79x128xi32, #tpu.memory_space<hbm>>
      %dma_start3A_34 = tpu.memref_squeeze %dma_start3A_33 : memref<1x79x128xi32, #tpu.memory_space<hbm>> -> memref<79x128xi32, #tpu.memory_space<hbm>>
      %dma_start3A_35 = arith.constant 0 : i32
      %dma_start3A_36 = arith.constant 0 : i32
      %dma_start3A_37 = tpu.memref_slice %dma_start3A_34[%dma_start3A_35, %dma_start3A_36] : memref<79x128xi32, #tpu.memory_space<hbm>> -> memref<79x128xi32, #tpu.memory_space<hbm>>
      tpu.enqueue_dma source(%dma_start3A_37 : memref<79x128xi32, #tpu.memory_space<hbm>>) target(%arg7 : memref<79x128xi32, #tpu.memory_space<vmem>>) target_semaphore(%run_scoped3A : memref<!tpu.dma_semaphore, #tpu.memory_space<semaphore_mem>>)
      %dma_wait3A = arith.constant 0 : i32
      %dma_wait3A_38 = arith.constant 0 : i32
      %dma_wait3A_39 = tpu.memref_slice %arg4[%add3A, %dma_wait3A, %dma_wait3A_38] : memref<32x79x128xi32, #tpu.memory_space<hbm>> -> memref<1x79x128xi32, #tpu.memory_space<hbm>>
      %dma_wait3A_40 = tpu.memref_squeeze %dma_wait3A_39 : memref<1x79x128xi32, #tpu.memory_space<hbm>> -> memref<79x128xi32, #tpu.memory_space<hbm>>
      %dma_wait3A_41 = arith.constant 0 : i32
      %dma_wait3A_42 = arith.constant 0 : i32
      %dma_wait3A_43 = tpu.memref_slice %dma_wait3A_40[%dma_wait3A_41, %dma_wait3A_42] : memref<79x128xi32, #tpu.memory_space<hbm>> -> memref<79x128xi32, #tpu.memory_space<hbm>>
      %dma_wait3A_44 = arith.constant 0 : i32
      %dma_wait3A_45 = arith.constant 0 : i32
      %dma_wait3A_46 = tpu.memref_slice %arg4[%add3A, %dma_wait3A_44, %dma_wait3A_45] : memref<32x79x128xi32, #tpu.memory_space<hbm>> -> memref<1x79x128xi32, #tpu.memory_space<hbm>>
      %dma_wait3A_47 = tpu.memref_squeeze %dma_wait3A_46 : memref<1x79x128xi32, #tpu.memory_space<hbm>> -> memref<79x128xi32, #tpu.memory_space<hbm>>
      %dma_wait3A_48 = arith.constant 0 : i32
      %dma_wait3A_49 = arith.constant 0 : i32
      %dma_wait3A_50 = tpu.memref_slice %dma_wait3A_47[%dma_wait3A_48, %dma_wait3A_49] : memref<79x128xi32, #tpu.memory_space<hbm>> -> memref<79x128xi32, #tpu.memory_space<hbm>>
      tpu.wait_dma2 semaphore(%run_scoped3A : memref<!tpu.dma_semaphore, #tpu.memory_space<semaphore_mem>>) src(%dma_wait3A_50 : memref<79x128xi32, #tpu.memory_space<hbm>>) dst(%arg7 : memref<79x128xi32, #tpu.memory_space<vmem>>)
      tpu.yield
    }) : () -> ()
    %scan3A_18 = arith.constant 0 : i32
    %scan3A_19 = arith.constant 0 : i32
    %scan3A_20 = arith.constant 79 : i32
    %scan3A_21 = arith.addi %scan3A_19, %scan3A_20 : i32
    %scan3A_22 = arith.constant 1 : i32
    scf.for %scan3A_25 = %scan3A_19 to %scan3A_21 step %scan3A_22  : i32 {
      %dma_start3A = arith.constant 0 : i32
      %dma_start3A_26 = tpu.memref_slice %arg6[%scan3A_25, %dma_start3A] : memref<79x128xi32, #tpu.memory_space<vmem>> -> memref<1x128xi32, #tpu.memory_space<vmem>>
      %dma_start3A_27 = tpu.memref_squeeze %dma_start3A_26 : memref<1x128xi32, #tpu.memory_space<vmem>> -> memref<128xi32, #tpu.memory_space<vmem>>
      %dma_start3A_28 = arith.constant 0 : i32
      %dma_start3A_29 = arith.constant 0 : i32
      %dma_start3A_30 = tpu.memref_slice %arg2[%dma_start3A_28, %dma_start3A_29] : memref<10000x128xf32, #tpu.memory_space<hbm>> -> memref<10000x128xf32, #tpu.memory_space<hbm>>
      tpu.enqueue_indirect_dma source(%dma_start3A_30 : memref<10000x128xf32, #tpu.memory_space<hbm>>) target(%arg8 : memref<128x128xf32, #tpu.memory_space<vmem>>) offsets(%dma_start3A_27 : memref<128xi32, #tpu.memory_space<vmem>>) semaphore(%arg10 : memref<!tpu.dma_semaphore, #tpu.memory_space<semaphore_mem>>)
      %dma_wait3A = arith.constant 0 : i32
      %dma_wait3A_31 = tpu.memref_slice %arg6[%scan3A_25, %dma_wait3A] : memref<79x128xi32, #tpu.memory_space<vmem>> -> memref<1x128xi32, #tpu.memory_space<vmem>>
      %dma_wait3A_32 = tpu.memref_squeeze %dma_wait3A_31 : memref<1x128xi32, #tpu.memory_space<vmem>> -> memref<128xi32, #tpu.memory_space<vmem>>
      %dma_wait3A_33 = arith.constant 0 : i32
      %dma_wait3A_34 = arith.constant 0 : i32
      %dma_wait3A_35 = tpu.memref_slice %arg2[%dma_wait3A_33, %dma_wait3A_34] : memref<10000x128xf32, #tpu.memory_space<hbm>> -> memref<10000x128xf32, #tpu.memory_space<hbm>>
      tpu.wait_indirect_dma semaphore(%arg10 : memref<!tpu.dma_semaphore, #tpu.memory_space<semaphore_mem>>) src(%dma_wait3A_35 : memref<10000x128xf32, #tpu.memory_space<hbm>>) dst(%arg8 : memref<128x128xf32, #tpu.memory_space<vmem>>)
      "tpu.region"() ({
        %run_scoped3A = tpu.sem_alloc : memref<!tpu.dma_semaphore, #tpu.memory_space<semaphore_mem>>
        %dma_start3A_36 = arith.constant 0 : i32
        %dma_start3A_37 = tpu.memref_slice %arg7[%scan3A_25, %dma_start3A_36] : memref<79x128xi32, #tpu.memory_space<vmem>> -> memref<1x128xi32, #tpu.memory_space<vmem>>
        %dma_start3A_38 = tpu.memref_squeeze %dma_start3A_37 : memref<1x128xi32, #tpu.memory_space<vmem>> -> memref<128xi32, #tpu.memory_space<vmem>>
        %dma_start3A_39 = arith.constant 0 : i32
        %dma_start3A_40 = arith.constant 0 : i32
        %dma_start3A_41 = tpu.memref_slice %arg9[%dma_start3A_39, %dma_start3A_40] : memref<10240x128xf32, #tpu.memory_space<vmem_shared>> -> memref<10240x128xf32, #tpu.memory_space<vmem_shared>>
        tpu.enqueue_indirect_dma source(%arg8 : memref<128x128xf32, #tpu.memory_space<vmem>>) target(%dma_start3A_41 : memref<10240x128xf32, #tpu.memory_space<vmem_shared>>) offsets(%dma_start3A_38 : memref<128xi32, #tpu.memory_space<vmem>>) semaphore(%run_scoped3A : memref<!tpu.dma_semaphore, #tpu.memory_space<semaphore_mem>>) {add = true}
        %dma_wait3A_42 = arith.constant 0 : i32
        %dma_wait3A_43 = tpu.memref_slice %arg7[%scan3A_25, %dma_wait3A_42] : memref<79x128xi32, #tpu.memory_space<vmem>> -> memref<1x128xi32, #tpu.memory_space<vmem>>
        %dma_wait3A_44 = tpu.memref_squeeze %dma_wait3A_43 : memref<1x128xi32, #tpu.memory_space<vmem>> -> memref<128xi32, #tpu.memory_space<vmem>>
        %dma_wait3A_45 = arith.constant 0 : i32
        %dma_wait3A_46 = arith.constant 0 : i32
        %dma_wait3A_47 = tpu.memref_slice %arg9[%dma_wait3A_45, %dma_wait3A_46] : memref<10240x128xf32, #tpu.memory_space<vmem_shared>> -> memref<10240x128xf32, #tpu.memory_space<vmem_shared>>
        tpu.wait_indirect_dma semaphore(%run_scoped3A : memref<!tpu.dma_semaphore, #tpu.memory_space<semaphore_mem>>) src(%arg8 : memref<128x128xf32, #tpu.memory_space<vmem>>) dst(%dma_wait3A_47 : memref<10240x128xf32, #tpu.memory_space<vmem_shared>>)
        tpu.yield
      }) : () -> ()
    }
    %scan3A_23 = arith.constant 79 : i32
    %barrier3A_24 = arith.constant 0 : index
    tpu.barrier barrier_id(%barrier3A_24)
    "tpu.region"() ({
      %run_scoped3A = tpu.sem_alloc : memref<!tpu.dma_semaphore, #tpu.memory_space<semaphore_mem>>
      %dma_start3A = arith.constant 0 : i32
      %dma_start3A_25 = arith.constant 0 : i32
      %dma_start3A_26 = tpu.memref_slice %arg5[%arg0, %dma_start3A, %dma_start3A_25] : memref<2x10240x128xf32, #tpu.memory_space<hbm>> -> memref<1x10240x128xf32, #tpu.memory_space<hbm>>
      %dma_start3A_27 = tpu.memref_squeeze %dma_start3A_26 : memref<1x10240x128xf32, #tpu.memory_space<hbm>> -> memref<10240x128xf32, #tpu.memory_space<hbm>>
      %dma_start3A_28 = arith.constant 0 : i32
      %dma_start3A_29 = tpu.memref_slice %dma_start3A_27[%mul3A_7, %dma_start3A_28] : memref<10240x128xf32, #tpu.memory_space<hbm>> -> memref<640x128xf32, #tpu.memory_space<hbm>>
      %dma_start3A_30 = arith.constant 0 : i32
      %dma_start3A_31 = tpu.memref_slice %arg9[%mul3A_7, %dma_start3A_30] : memref<10240x128xf32, #tpu.memory_space<vmem_shared>> -> memref<640x128xf32, #tpu.memory_space<vmem_shared>>
      tpu.enqueue_dma source(%dma_start3A_31 : memref<640x128xf32, #tpu.memory_space<vmem_shared>>) target(%dma_start3A_29 : memref<640x128xf32, #tpu.memory_space<hbm>>) target_semaphore(%run_scoped3A : memref<!tpu.dma_semaphore, #tpu.memory_space<semaphore_mem>>)
      %dma_wait3A = arith.constant 0 : i32
      %dma_wait3A_32 = arith.constant 0 : i32
      %dma_wait3A_33 = tpu.memref_slice %arg5[%arg0, %dma_wait3A, %dma_wait3A_32] : memref<2x10240x128xf32, #tpu.memory_space<hbm>> -> memref<1x10240x128xf32, #tpu.memory_space<hbm>>
      %dma_wait3A_34 = tpu.memref_squeeze %dma_wait3A_33 : memref<1x10240x128xf32, #tpu.memory_space<hbm>> -> memref<10240x128xf32, #tpu.memory_space<hbm>>
      %dma_wait3A_35 = arith.constant 0 : i32
      %dma_wait3A_36 = tpu.memref_slice %dma_wait3A_34[%mul3A_7, %dma_wait3A_35] : memref<10240x128xf32, #tpu.memory_space<hbm>> -> memref<640x128xf32, #tpu.memory_space<hbm>>
      %dma_wait3A_37 = arith.constant 0 : i32
      %dma_wait3A_38 = tpu.memref_slice %arg9[%mul3A_7, %dma_wait3A_37] : memref<10240x128xf32, #tpu.memory_space<vmem_shared>> -> memref<640x128xf32, #tpu.memory_space<vmem_shared>>
      tpu.wait_dma2 semaphore(%run_scoped3A : memref<!tpu.dma_semaphore, #tpu.memory_space<semaphore_mem>>) src(%dma_wait3A_38 : memref<640x128xf32, #tpu.memory_space<vmem_shared>>) dst(%dma_wait3A_36 : memref<640x128xf32, #tpu.memory_space<hbm>>)
      tpu.yield
    }) : () -> ()
    return
  }
}

#map = affine_map<(d0, d1) -> (0, 0)>
#map1 = affine_map<(d0, d1) -> (0, 0, 0)>
module attributes {stable_mosaic.version = 14 : i64} {
  func.func @body(%arg0: i32, %arg1: i32, %arg2: memref<10000x128xf32, #tpu.memory_space<hbm>>, %arg3: memref<32x79x128xi32, #tpu.memory_space<hbm>>, %arg4: memref<32x79x128xi32, #tpu.memory_space<hbm>>, %arg5: memref<2x10240x128xf32, #tpu.memory_space<hbm>>, %arg6: memref<79x128xi32, #tpu.memory_space<vmem>>, %arg7: memref<79x128xi32, #tpu.memory_space<vmem>>, %arg8: memref<128x128xf32, #tpu.memory_space<vmem>>, %arg9: memref<10240x128xf32, #tpu.memory_space<vmem_shared>>, %arg10: memref<!tpu.dma_semaphore, #tpu.memory_space<semaphore_mem>>) attributes {dimension_semantics = [#tpu.dimension_semantics<core_parallel>, #tpu.dimension_semantics<subcore_parallel>], iteration_bounds = array<i64: 2, 16>, scalar_prefetch = 0 : i64, scratch_operands = 5 : i64, tpu.core_type = #tpu.core_type<sc_vector_subcore>, window_params = [{transform_indices = #map}, {transform_indices = #map1}, {transform_indices = #map1}, {transform_indices = #map1}]} {
    %mul3A = arith.constant 2 : i32
    %mul3A_0 = arith.muli %arg1, %mul3A : i32
    %add3A = arith.addi %mul3A_0, %arg0 : i32
    %scan3A = arith.constant 0 : i32
    %scan3A_1 = arith.constant 0 : i32
    %scan3A_2 = arith.constant 1024 : i32
    %scan3A_3 = arith.addi %scan3A_1, %scan3A_2 : i32
    %scan3A_4 = arith.constant 1 : i32
    scf.for %scan3A_25 = %scan3A_1 to %scan3A_3 step %scan3A_4  : i32 {
      %broadcast_in_dim3A = arith.constant 0.000000e+00 : f32
      %broadcast_in_dim3A_26 = vector.broadcast %broadcast_in_dim3A : f32 to vector<16xf32>
      %jit3A = arith.constant 8 : i32
      %div3A = arith.divsi %scan3A_25, %jit3A : i32
      %sign3A = arith.constant 0 : i32
      %sign3A_27 = arith.cmpi sgt, %scan3A_25, %sign3A : i32
      %sign3A_28 = arith.extui %sign3A_27 : i1 to i32
      %sign3A_29 = arith.constant 0 : i32
      %sign3A_30 = arith.cmpi slt, %scan3A_25, %sign3A_29 : i32
      %sign3A_31 = arith.extui %sign3A_30 : i1 to i32
      %sign3A_32 = arith.subi %sign3A_28, %sign3A_31 : i32
      %sign3A_33 = arith.constant 0 : i32
      %sign3A_34 = arith.cmpi sgt, %jit3A, %sign3A_33 : i32
      %sign3A_35 = arith.extui %sign3A_34 : i1 to i32
      %sign3A_36 = arith.constant 0 : i32
      %sign3A_37 = arith.cmpi slt, %jit3A, %sign3A_36 : i32
      %sign3A_38 = arith.extui %sign3A_37 : i1 to i32
      %sign3A_39 = arith.subi %sign3A_35, %sign3A_38 : i32
      %ne3A = arith.cmpi ne, %sign3A_32, %sign3A_39 : i32
      %rem3A = arith.remsi %scan3A_25, %jit3A : i32
      %ne3A_40 = arith.constant 0 : i32
      %ne3A_41 = arith.cmpi ne, %rem3A, %ne3A_40 : i32
      %and3A = arith.andi %ne3A, %ne3A_41 : i1
      %sub3A = arith.constant 1 : i32
      %sub3A_42 = arith.subi %div3A, %sub3A : i32
      %select_n3A = arith.select %and3A, %sub3A_42, %div3A : i32
      %jit3A_43 = arith.constant 8 : i32
      %eq3A = arith.constant 0 : i32
      %eq3A_44 = arith.cmpi eq, %jit3A_43, %eq3A : i32
      %jit3A_45 = arith.constant 1 : i32
      %select_n3A_46 = arith.select %eq3A_44, %jit3A_45, %jit3A_43 : i32
      %rem3A_47 = arith.remsi %scan3A_25, %select_n3A_46 : i32
      %ne3A_48 = arith.constant 0 : i32
      %ne3A_49 = arith.cmpi ne, %rem3A_47, %ne3A_48 : i32
      %lt3A = arith.constant 0 : i32
      %lt3A_50 = arith.cmpi slt, %rem3A_47, %lt3A : i32
      %lt3A_51 = arith.constant 0 : i32
      %lt3A_52 = arith.cmpi slt, %select_n3A_46, %lt3A_51 : i32
      %ne3A_53 = arith.xori %lt3A_50, %lt3A_52 : i1
      %and3A_54 = arith.andi %ne3A_53, %ne3A_49 : i1
      %add3A_55 = arith.addi %rem3A_47, %select_n3A_46 : i32
      %select_n3A_56 = arith.select %and3A_54, %add3A_55, %rem3A_47 : i32
      %mul3A_57 = arith.constant 16 : i32
      %mul3A_58 = arith.muli %select_n3A_56, %mul3A_57 : i32
      %swap3A = arith.index_cast %select_n3A : i32 to index
      %swap3A_59 = arith.index_cast %mul3A_58 : i32 to index
      %swap3A_60 = tpu.vector_load %arg8[%swap3A, %swap3A_59] {strides = array<i32>} : memref<128x128xf32, #tpu.memory_space<vmem>>, vector<1x16xf32>,
      %swap3A_61 = vector.shape_cast %swap3A_60 : vector<1x16xf32> to vector<16xf32>
      %swap3A_62 = vector.shape_cast %broadcast_in_dim3A_26 : vector<16xf32> to vector<1x16xf32>
      tpu.vector_store %arg8[%swap3A, %swap3A_59], %swap3A_62 {strides = array<i32>} : memref<128x128xf32, #tpu.memory_space<vmem>>, vector<1x16xf32>,
    }
    %scan3A_5 = arith.constant 1024 : i32
    %mul3A_6 = arith.constant 640 : i32
    %mul3A_7 = arith.muli %arg1, %mul3A_6 : i32
    %add3A_8 = arith.constant 0 : i32
    %add3A_9 = arith.addi %mul3A_7, %add3A_8 : i32
    "tpu.region"() ({
      %run_scoped3A = tpu.sem_alloc : memref<!tpu.dma_semaphore, #tpu.memory_space<semaphore_mem>>
      %dma_start3A = arith.constant 0 : i32
      %dma_start3A_25 = tpu.memref_slice %arg9[%add3A_9, %dma_start3A] : memref<10240x128xf32, #tpu.memory_space<vmem_shared>> -> memref<128x128xf32, #tpu.memory_space<vmem_shared>>
      %dma_start3A_26 = arith.constant 0 : i32
      %dma_start3A_27 = tpu.memref_slice %arg9[%add3A_9, %dma_start3A_26] : memref<10240x128xf32, #tpu.memory_space<vmem_shared>> -> memref<128x128xf32, #tpu.memory_space<vmem_shared>>
      tpu.enqueue_dma source(%arg8 : memref<128x128xf32, #tpu.memory_space<vmem>>) target(%dma_start3A_27 : memref<128x128xf32, #tpu.memory_space<vmem_shared>>) target_semaphore(%run_scoped3A : memref<!tpu.dma_semaphore, #tpu.memory_space<semaphore_mem>>)
      %dma_wait3A = arith.constant 0 : i32
      %dma_wait3A_28 = tpu.memref_slice %arg9[%add3A_9, %dma_wait3A] : memref<10240x128xf32, #tpu.memory_space<vmem_shared>> -> memref<128x128xf32, #tpu.memory_space<vmem_shared>>
      %dma_wait3A_29 = arith.constant 0 : i32
      %dma_wait3A_30 = tpu.memref_slice %arg9[%add3A_9, %dma_wait3A_29] : memref<10240x128xf32, #tpu.memory_space<vmem_shared>> -> memref<128x128xf32, #tpu.memory_space<vmem_shared>>
      tpu.wait_dma2 semaphore(%run_scoped3A : memref<!tpu.dma_semaphore, #tpu.memory_space<semaphore_mem>>) src(%arg8 : memref<128x128xf32, #tpu.memory_space<vmem>>) dst(%dma_wait3A_30 : memref<128x128xf32, #tpu.memory_space<vmem_shared>>)
      tpu.yield
    }) : () -> ()
    %add3A_10 = arith.constant 128 : i32
    %add3A_11 = arith.addi %mul3A_7, %add3A_10 : i32
    "tpu.region"() ({
      %run_scoped3A = tpu.sem_alloc : memref<!tpu.dma_semaphore, #tpu.memory_space<semaphore_mem>>
      %dma_start3A = arith.constant 0 : i32
      %dma_start3A_25 = tpu.memref_slice %arg9[%add3A_11, %dma_start3A] : memref<10240x128xf32, #tpu.memory_space<vmem_shared>> -> memref<128x128xf32, #tpu.memory_space<vmem_shared>>
      %dma_start3A_26 = arith.constant 0 : i32
      %dma_start3A_27 = tpu.memref_slice %arg9[%add3A_11, %dma_start3A_26] : memref<10240x128xf32, #tpu.memory_space<vmem_shared>> -> memref<128x128xf32, #tpu.memory_space<vmem_shared>>
      tpu.enqueue_dma source(%arg8 : memref<128x128xf32, #tpu.memory_space<vmem>>) target(%dma_start3A_27 : memref<128x128xf32, #tpu.memory_space<vmem_shared>>) target_semaphore(%run_scoped3A : memref<!tpu.dma_semaphore, #tpu.memory_space<semaphore_mem>>)
      %dma_wait3A = arith.constant 0 : i32
      %dma_wait3A_28 = tpu.memref_slice %arg9[%add3A_11, %dma_wait3A] : memref<10240x128xf32, #tpu.memory_space<vmem_shared>> -> memref<128x128xf32, #tpu.memory_space<vmem_shared>>
      %dma_wait3A_29 = arith.constant 0 : i32
      %dma_wait3A_30 = tpu.memref_slice %arg9[%add3A_11, %dma_wait3A_29] : memref<10240x128xf32, #tpu.memory_space<vmem_shared>> -> memref<128x128xf32, #tpu.memory_space<vmem_shared>>
      tpu.wait_dma2 semaphore(%run_scoped3A : memref<!tpu.dma_semaphore, #tpu.memory_space<semaphore_mem>>) src(%arg8 : memref<128x128xf32, #tpu.memory_space<vmem>>) dst(%dma_wait3A_30 : memref<128x128xf32, #tpu.memory_space<vmem_shared>>)
      tpu.yield
    }) : () -> ()
    %add3A_12 = arith.constant 256 : i32
    %add3A_13 = arith.addi %mul3A_7, %add3A_12 : i32
    "tpu.region"() ({
      %run_scoped3A = tpu.sem_alloc : memref<!tpu.dma_semaphore, #tpu.memory_space<semaphore_mem>>
      %dma_start3A = arith.constant 0 : i32
      %dma_start3A_25 = tpu.memref_slice %arg9[%add3A_13, %dma_start3A] : memref<10240x128xf32, #tpu.memory_space<vmem_shared>> -> memref<128x128xf32, #tpu.memory_space<vmem_shared>>
      %dma_start3A_26 = arith.constant 0 : i32
      %dma_start3A_27 = tpu.memref_slice %arg9[%add3A_13, %dma_start3A_26] : memref<10240x128xf32, #tpu.memory_space<vmem_shared>> -> memref<128x128xf32, #tpu.memory_space<vmem_shared>>
      tpu.enqueue_dma source(%arg8 : memref<128x128xf32, #tpu.memory_space<vmem>>) target(%dma_start3A_27 : memref<128x128xf32, #tpu.memory_space<vmem_shared>>) target_semaphore(%run_scoped3A : memref<!tpu.dma_semaphore, #tpu.memory_space<semaphore_mem>>)
      %dma_wait3A = arith.constant 0 : i32
      %dma_wait3A_28 = tpu.memref_slice %arg9[%add3A_13, %dma_wait3A] : memref<10240x128xf32, #tpu.memory_space<vmem_shared>> -> memref<128x128xf32, #tpu.memory_space<vmem_shared>>
      %dma_wait3A_29 = arith.constant 0 : i32
      %dma_wait3A_30 = tpu.memref_slice %arg9[%add3A_13, %dma_wait3A_29] : memref<10240x128xf32, #tpu.memory_space<vmem_shared>> -> memref<128x128xf32, #tpu.memory_space<vmem_shared>>
      tpu.wait_dma2 semaphore(%run_scoped3A : memref<!tpu.dma_semaphore, #tpu.memory_space<semaphore_mem>>) src(%arg8 : memref<128x128xf32, #tpu.memory_space<vmem>>) dst(%dma_wait3A_30 : memref<128x128xf32, #tpu.memory_space<vmem_shared>>)
      tpu.yield
    }) : () -> ()
    %add3A_14 = arith.constant 384 : i32
    %add3A_15 = arith.addi %mul3A_7, %add3A_14 : i32
    "tpu.region"() ({
      %run_scoped3A = tpu.sem_alloc : memref<!tpu.dma_semaphore, #tpu.memory_space<semaphore_mem>>
      %dma_start3A = arith.constant 0 : i32
      %dma_start3A_25 = tpu.memref_slice %arg9[%add3A_15, %dma_start3A] : memref<10240x128xf32, #tpu.memory_space<vmem_shared>> -> memref<128x128xf32, #tpu.memory_space<vmem_shared>>
      %dma_start3A_26 = arith.constant 0 : i32
      %dma_start3A_27 = tpu.memref_slice %arg9[%add3A_15, %dma_start3A_26] : memref<10240x128xf32, #tpu.memory_space<vmem_shared>> -> memref<128x128xf32, #tpu.memory_space<vmem_shared>>
      tpu.enqueue_dma source(%arg8 : memref<128x128xf32, #tpu.memory_space<vmem>>) target(%dma_start3A_27 : memref<128x128xf32, #tpu.memory_space<vmem_shared>>) target_semaphore(%run_scoped3A : memref<!tpu.dma_semaphore, #tpu.memory_space<semaphore_mem>>)
      %dma_wait3A = arith.constant 0 : i32
      %dma_wait3A_28 = tpu.memref_slice %arg9[%add3A_15, %dma_wait3A] : memref<10240x128xf32, #tpu.memory_space<vmem_shared>> -> memref<128x128xf32, #tpu.memory_space<vmem_shared>>
      %dma_wait3A_29 = arith.constant 0 : i32
      %dma_wait3A_30 = tpu.memref_slice %arg9[%add3A_15, %dma_wait3A_29] : memref<10240x128xf32, #tpu.memory_space<vmem_shared>> -> memref<128x128xf32, #tpu.memory_space<vmem_shared>>
      tpu.wait_dma2 semaphore(%run_scoped3A : memref<!tpu.dma_semaphore, #tpu.memory_space<semaphore_mem>>) src(%arg8 : memref<128x128xf32, #tpu.memory_space<vmem>>) dst(%dma_wait3A_30 : memref<128x128xf32, #tpu.memory_space<vmem_shared>>)
      tpu.yield
    }) : () -> ()
    %add3A_16 = arith.constant 512 : i32
    %add3A_17 = arith.addi %mul3A_7, %add3A_16 : i32
    "tpu.region"() ({
      %run_scoped3A = tpu.sem_alloc : memref<!tpu.dma_semaphore, #tpu.memory_space<semaphore_mem>>
      %dma_start3A = arith.constant 0 : i32
      %dma_start3A_25 = tpu.memref_slice %arg9[%add3A_17, %dma_start3A] : memref<10240x128xf32, #tpu.memory_space<vmem_shared>> -> memref<128x128xf32, #tpu.memory_space<vmem_shared>>
      %dma_start3A_26 = arith.constant 0 : i32
      %dma_start3A_27 = tpu.memref_slice %arg9[%add3A_17, %dma_start3A_26] : memref<10240x128xf32, #tpu.memory_space<vmem_shared>> -> memref<128x128xf32, #tpu.memory_space<vmem_shared>>
      tpu.enqueue_dma source(%arg8 : memref<128x128xf32, #tpu.memory_space<vmem>>) target(%dma_start3A_27 : memref<128x128xf32, #tpu.memory_space<vmem_shared>>) target_semaphore(%run_scoped3A : memref<!tpu.dma_semaphore, #tpu.memory_space<semaphore_mem>>)
      %dma_wait3A = arith.constant 0 : i32
      %dma_wait3A_28 = tpu.memref_slice %arg9[%add3A_17, %dma_wait3A] : memref<10240x128xf32, #tpu.memory_space<vmem_shared>> -> memref<128x128xf32, #tpu.memory_space<vmem_shared>>
      %dma_wait3A_29 = arith.constant 0 : i32
      %dma_wait3A_30 = tpu.memref_slice %arg9[%add3A_17, %dma_wait3A_29] : memref<10240x128xf32, #tpu.memory_space<vmem_shared>> -> memref<128x128xf32, #tpu.memory_space<vmem_shared>>
      tpu.wait_dma2 semaphore(%run_scoped3A : memref<!tpu.dma_semaphore, #tpu.memory_space<semaphore_mem>>) src(%arg8 : memref<128x128xf32, #tpu.memory_space<vmem>>) dst(%dma_wait3A_30 : memref<128x128xf32, #tpu.memory_space<vmem_shared>>)
      tpu.yield
    }) : () -> ()
    %barrier3A = arith.constant 0 : index
    tpu.barrier barrier_id(%barrier3A)
    "tpu.region"() ({
      %run_scoped3A = tpu.sem_alloc : memref<!tpu.dma_semaphore, #tpu.memory_space<semaphore_mem>>
      %dma_start3A = arith.constant 0 : i32
      %dma_start3A_25 = arith.constant 0 : i32
      %dma_start3A_26 = tpu.memref_slice %arg3[%add3A, %dma_start3A, %dma_start3A_25] : memref<32x79x128xi32, #tpu.memory_space<hbm>> -> memref<1x79x128xi32, #tpu.memory_space<hbm>>
      %dma_start3A_27 = tpu.memref_squeeze %dma_start3A_26 : memref<1x79x128xi32, #tpu.memory_space<hbm>> -> memref<79x128xi32, #tpu.memory_space<hbm>>
      %dma_start3A_28 = arith.constant 0 : i32
      %dma_start3A_29 = arith.constant 0 : i32
      %dma_start3A_30 = tpu.memref_slice %dma_start3A_27[%dma_start3A_28, %dma_start3A_29] : memref<79x128xi32, #tpu.memory_space<hbm>> -> memref<79x128xi32, #tpu.memory_space<hbm>>
      %dma_start3A_31 = arith.constant 0 : i32
      %dma_start3A_32 = arith.constant 0 : i32
      %dma_start3A_33 = tpu.memref_slice %arg3[%add3A, %dma_start3A_31, %dma_start3A_32] : memref<32x79x128xi32, #tpu.memory_space<hbm>> -> memref<1x79x128xi32, #tpu.memory_space<hbm>>
      %dma_start3A_34 = tpu.memref_squeeze %dma_start3A_33 : memref<1x79x128xi32, #tpu.memory_space<hbm>> -> memref<79x128xi32, #tpu.memory_space<hbm>>
      %dma_start3A_35 = arith.constant 0 : i32
      %dma_start3A_36 = arith.constant 0 : i32
      %dma_start3A_37 = tpu.memref_slice %dma_start3A_34[%dma_start3A_35, %dma_start3A_36] : memref<79x128xi32, #tpu.memory_space<hbm>> -> memref<79x128xi32, #tpu.memory_space<hbm>>
      tpu.enqueue_dma source(%dma_start3A_37 : memref<79x128xi32, #tpu.memory_space<hbm>>) target(%arg6 : memref<79x128xi32, #tpu.memory_space<vmem>>) target_semaphore(%run_scoped3A : memref<!tpu.dma_semaphore, #tpu.memory_space<semaphore_mem>>)
      %dma_wait3A = arith.constant 0 : i32
      %dma_wait3A_38 = arith.constant 0 : i32
      %dma_wait3A_39 = tpu.memref_slice %arg3[%add3A, %dma_wait3A, %dma_wait3A_38] : memref<32x79x128xi32, #tpu.memory_space<hbm>> -> memref<1x79x128xi32, #tpu.memory_space<hbm>>
      %dma_wait3A_40 = tpu.memref_squeeze %dma_wait3A_39 : memref<1x79x128xi32, #tpu.memory_space<hbm>> -> memref<79x128xi32, #tpu.memory_space<hbm>>
      %dma_wait3A_41 = arith.constant 0 : i32
      %dma_wait3A_42 = arith.constant 0 : i32
      %dma_wait3A_43 = tpu.memref_slice %dma_wait3A_40[%dma_wait3A_41, %dma_wait3A_42] : memref<79x128xi32, #tpu.memory_space<hbm>> -> memref<79x128xi32, #tpu.memory_space<hbm>>
      %dma_wait3A_44 = arith.constant 0 : i32
      %dma_wait3A_45 = arith.constant 0 : i32
      %dma_wait3A_46 = tpu.memref_slice %arg3[%add3A, %dma_wait3A_44, %dma_wait3A_45] : memref<32x79x128xi32, #tpu.memory_space<hbm>> -> memref<1x79x128xi32, #tpu.memory_space<hbm>>
      %dma_wait3A_47 = tpu.memref_squeeze %dma_wait3A_46 : memref<1x79x128xi32, #tpu.memory_space<hbm>> -> memref<79x128xi32, #tpu.memory_space<hbm>>
      %dma_wait3A_48 = arith.constant 0 : i32
      %dma_wait3A_49 = arith.constant 0 : i32
      %dma_wait3A_50 = tpu.memref_slice %dma_wait3A_47[%dma_wait3A_48, %dma_wait3A_49] : memref<79x128xi32, #tpu.memory_space<hbm>> -> memref<79x128xi32, #tpu.memory_space<hbm>>
      tpu.wait_dma2 semaphore(%run_scoped3A : memref<!tpu.dma_semaphore, #tpu.memory_space<semaphore_mem>>) src(%dma_wait3A_50 : memref<79x128xi32, #tpu.memory_space<hbm>>) dst(%arg6 : memref<79x128xi32, #tpu.memory_space<vmem>>)
      tpu.yield
    }) : () -> ()
    "tpu.region"() ({
      %run_scoped3A = tpu.sem_alloc : memref<!tpu.dma_semaphore, #tpu.memory_space<semaphore_mem>>
      %dma_start3A = arith.constant 0 : i32
      %dma_start3A_25 = arith.constant 0 : i32
      %dma_start3A_26 = tpu.memref_slice %arg4[%add3A, %dma_start3A, %dma_start3A_25] : memref<32x79x128xi32, #tpu.memory_space<hbm>> -> memref<1x79x128xi32, #tpu.memory_space<hbm>>
      %dma_start3A_27 = tpu.memref_squeeze %dma_start3A_26 : memref<1x79x128xi32, #tpu.memory_space<hbm>> -> memref<79x128xi32, #tpu.memory_space<hbm>>
      %dma_start3A_28 = arith.constant 0 : i32
      %dma_start3A_29 = arith.constant 0 : i32
      %dma_start3A_30 = tpu.memref_slice %dma_start3A_27[%dma_start3A_28, %dma_start3A_29] : memref<79x128xi32, #tpu.memory_space<hbm>> -> memref<79x128xi32, #tpu.memory_space<hbm>>
      %dma_start3A_31 = arith.constant 0 : i32
      %dma_start3A_32 = arith.constant 0 : i32
      %dma_start3A_33 = tpu.memref_slice %arg4[%add3A, %dma_start3A_31, %dma_start3A_32] : memref<32x79x128xi32, #tpu.memory_space<hbm>> -> memref<1x79x128xi32, #tpu.memory_space<hbm>>
      %dma_start3A_34 = tpu.memref_squeeze %dma_start3A_33 : memref<1x79x128xi32, #tpu.memory_space<hbm>> -> memref<79x128xi32, #tpu.memory_space<hbm>>
      %dma_start3A_35 = arith.constant 0 : i32
      %dma_start3A_36 = arith.constant 0 : i32
      %dma_start3A_37 = tpu.memref_slice %dma_start3A_34[%dma_start3A_35, %dma_start3A_36] : memref<79x128xi32, #tpu.memory_space<hbm>> -> memref<79x128xi32, #tpu.memory_space<hbm>>
      tpu.enqueue_dma source(%dma_start3A_37 : memref<79x128xi32, #tpu.memory_space<hbm>>) target(%arg7 : memref<79x128xi32, #tpu.memory_space<vmem>>) target_semaphore(%run_scoped3A : memref<!tpu.dma_semaphore, #tpu.memory_space<semaphore_mem>>)
      %dma_wait3A = arith.constant 0 : i32
      %dma_wait3A_38 = arith.constant 0 : i32
      %dma_wait3A_39 = tpu.memref_slice %arg4[%add3A, %dma_wait3A, %dma_wait3A_38] : memref<32x79x128xi32, #tpu.memory_space<hbm>> -> memref<1x79x128xi32, #tpu.memory_space<hbm>>
      %dma_wait3A_40 = tpu.memref_squeeze %dma_wait3A_39 : memref<1x79x128xi32, #tpu.memory_space<hbm>> -> memref<79x128xi32, #tpu.memory_space<hbm>>
      %dma_wait3A_41 = arith.constant 0 : i32
      %dma_wait3A_42 = arith.constant 0 : i32
      %dma_wait3A_43 = tpu.memref_slice %dma_wait3A_40[%dma_wait3A_41, %dma_wait3A_42] : memref<79x128xi32, #tpu.memory_space<hbm>> -> memref<79x128xi32, #tpu.memory_space<hbm>>
      %dma_wait3A_44 = arith.constant 0 : i32
      %dma_wait3A_45 = arith.constant 0 : i32
      %dma_wait3A_46 = tpu.memref_slice %arg4[%add3A, %dma_wait3A_44, %dma_wait3A_45] : memref<32x79x128xi32, #tpu.memory_space<hbm>> -> memref<1x79x128xi32, #tpu.memory_space<hbm>>
      %dma_wait3A_47 = tpu.memref_squeeze %dma_wait3A_46 : memref<1x79x128xi32, #tpu.memory_space<hbm>> -> memref<79x128xi32, #tpu.memory_space<hbm>>
      %dma_wait3A_48 = arith.constant 0 : i32
      %dma_wait3A_49 = arith.constant 0 : i32
      %dma_wait3A_50 = tpu.memref_slice %dma_wait3A_47[%dma_wait3A_48, %dma_wait3A_49] : memref<79x128xi32, #tpu.memory_space<hbm>> -> memref<79x128xi32, #tpu.memory_space<hbm>>
      tpu.wait_dma2 semaphore(%run_scoped3A : memref<!tpu.dma_semaphore, #tpu.memory_space<semaphore_mem>>) src(%dma_wait3A_50 : memref<79x128xi32, #tpu.memory_space<hbm>>) dst(%arg7 : memref<79x128xi32, #tpu.memory_space<vmem>>)
      tpu.yield
    }) : () -> ()
    %scan3A_18 = arith.constant 0 : i32
    %scan3A_19 = arith.constant 0 : i32
    %scan3A_20 = arith.constant 79 : i32
    %scan3A_21 = arith.addi %scan3A_19, %scan3A_20 : i32
    %scan3A_22 = arith.constant 1 : i32
    scf.for %scan3A_25 = %scan3A_19 to %scan3A_21 step %scan3A_22  : i32 {
      %dma_start3A = arith.constant 0 : i32
      %dma_start3A_26 = tpu.memref_slice %arg6[%scan3A_25, %dma_start3A] : memref<79x128xi32, #tpu.memory_space<vmem>> -> memref<1x128xi32, #tpu.memory_space<vmem>>
      %dma_start3A_27 = tpu.memref_squeeze %dma_start3A_26 : memref<1x128xi32, #tpu.memory_space<vmem>> -> memref<128xi32, #tpu.memory_space<vmem>>
      %dma_start3A_28 = arith.constant 0 : i32
      %dma_start3A_29 = arith.constant 0 : i32
      %dma_start3A_30 = tpu.memref_slice %arg2[%dma_start3A_28, %dma_start3A_29] : memref<10000x128xf32, #tpu.memory_space<hbm>> -> memref<10000x128xf32, #tpu.memory_space<hbm>>
      tpu.enqueue_indirect_dma source(%dma_start3A_30 : memref<10000x128xf32, #tpu.memory_space<hbm>>) target(%arg8 : memref<128x128xf32, #tpu.memory_space<vmem>>) offsets(%dma_start3A_27 : memref<128xi32, #tpu.memory_space<vmem>>) semaphore(%arg10 : memref<!tpu.dma_semaphore, #tpu.memory_space<semaphore_mem>>)
      %dma_wait3A = arith.constant 0 : i32
      %dma_wait3A_31 = tpu.memref_slice %arg6[%scan3A_25, %dma_wait3A] : memref<79x128xi32, #tpu.memory_space<vmem>> -> memref<1x128xi32, #tpu.memory_space<vmem>>
      %dma_wait3A_32 = tpu.memref_squeeze %dma_wait3A_31 : memref<1x128xi32, #tpu.memory_space<vmem>> -> memref<128xi32, #tpu.memory_space<vmem>>
      %dma_wait3A_33 = arith.constant 0 : i32
      %dma_wait3A_34 = arith.constant 0 : i32
      %dma_wait3A_35 = tpu.memref_slice %arg2[%dma_wait3A_33, %dma_wait3A_34] : memref<10000x128xf32, #tpu.memory_space<hbm>> -> memref<10000x128xf32, #tpu.memory_space<hbm>>
      tpu.wait_indirect_dma semaphore(%arg10 : memref<!tpu.dma_semaphore, #tpu.memory_space<semaphore_mem>>) src(%dma_wait3A_35 : memref<10000x128xf32, #tpu.memory_space<hbm>>) dst(%arg8 : memref<128x128xf32, #tpu.memory_space<vmem>>)
      "tpu.region"() ({
        %run_scoped3A = tpu.sem_alloc : memref<!tpu.dma_semaphore, #tpu.memory_space<semaphore_mem>>
        %dma_start3A_36 = arith.constant 0 : i32
        %dma_start3A_37 = tpu.memref_slice %arg7[%scan3A_25, %dma_start3A_36] : memref<79x128xi32, #tpu.memory_space<vmem>> -> memref<1x128xi32, #tpu.memory_space<vmem>>
        %dma_start3A_38 = tpu.memref_squeeze %dma_start3A_37 : memref<1x128xi32, #tpu.memory_space<vmem>> -> memref<128xi32, #tpu.memory_space<vmem>>
        %dma_start3A_39 = arith.constant 0 : i32
        %dma_start3A_40 = arith.constant 0 : i32
        %dma_start3A_41 = tpu.memref_slice %arg9[%dma_start3A_39, %dma_start3A_40] : memref<10240x128xf32, #tpu.memory_space<vmem_shared>> -> memref<10240x128xf32, #tpu.memory_space<vmem_shared>>
        tpu.enqueue_indirect_dma source(%arg8 : memref<128x128xf32, #tpu.memory_space<vmem>>) target(%dma_start3A_41 : memref<10240x128xf32, #tpu.memory_space<vmem_shared>>) offsets(%dma_start3A_38 : memref<128xi32, #tpu.memory_space<vmem>>) semaphore(%run_scoped3A : memref<!tpu.dma_semaphore, #tpu.memory_space<semaphore_mem>>) {add = true}
        %dma_wait3A_42 = arith.constant 0 : i32
        %dma_wait3A_43 = tpu.memref_slice %arg7[%scan3A_25, %dma_wait3A_42] : memref<79x128xi32, #tpu.memory_space<vmem>> -> memref<1x128xi32, #tpu.memory_space<vmem>>
        %dma_wait3A_44 = tpu.memref_squeeze %dma_wait3A_43 : memref<1x128xi32, #tpu.memory_space<vmem>> -> memref<128xi32, #tpu.memory_space<vmem>>
        %dma_wait3A_45 = arith.constant 0 : i32
        %dma_wait3A_46 = arith.constant 0 : i32
        %dma_wait3A_47 = tpu.memref_slice %arg9[%dma_wait3A_45, %dma_wait3A_46] : memref<10240x128xf32, #tpu.memory_space<vmem_shared>> -> memref<10240x128xf32, #tpu.memory_space<vmem_shared>>
        tpu.wait_indirect_dma semaphore(%run_scoped3A : memref<!tpu.dma_semaphore, #tpu.memory_space<semaphore_mem>>) src(%arg8 : memref<128x128xf32, #tpu.memory_space<vmem>>) dst(%dma_wait3A_47 : memref<10240x128xf32, #tpu.memory_space<vmem_shared>>)
        tpu.yield
      }) : () -> ()
    }
    %scan3A_23 = arith.constant 79 : i32
    %barrier3A_24 = arith.constant 0 : index
    tpu.barrier barrier_id(%barrier3A_24)
    "tpu.region"() ({
      %run_scoped3A = tpu.sem_alloc : memref<!tpu.dma_semaphore, #tpu.memory_space<semaphore_mem>>
      %dma_start3A = arith.constant 0 : i32
      %dma_start3A_25 = arith.constant 0 : i32
      %dma_start3A_26 = tpu.memref_slice %arg5[%arg0, %dma_start3A, %dma_start3A_25] : memref<2x10240x128xf32, #tpu.memory_space<hbm>> -> memref<1x10240x128xf32, #tpu.memory_space<hbm>>
      %dma_start3A_27 = tpu.memref_squeeze %dma_start3A_26 : memref<1x10240x128xf32, #tpu.memory_space<hbm>> -> memref<10240x128xf32, #tpu.memory_space<hbm>>
      %dma_start3A_28 = arith.constant 0 : i32
      %dma_start3A_29 = tpu.memref_slice %dma_start3A_27[%mul3A_7, %dma_start3A_28] : memref<10240x128xf32, #tpu.memory_space<hbm>> -> memref<640x128xf32, #tpu.memory_space<hbm>>
      %dma_start3A_30 = arith.constant 0 : i32
      %dma_start3A_31 = tpu.memref_slice %arg9[%mul3A_7, %dma_start3A_30] : memref<10240x128xf32, #tpu.memory_space<vmem_shared>> -> memref<640x128xf32, #tpu.memory_space<vmem_shared>>
      tpu.enqueue_dma source(%dma_start3A_31 : memref<640x128xf32, #tpu.memory_space<vmem_shared>>) target(%dma_start3A_29 : memref<640x128xf32, #tpu.memory_space<hbm>>) target_semaphore(%run_scoped3A : memref<!tpu.dma_semaphore, #tpu.memory_space<semaphore_mem>>)
      %dma_wait3A = arith.constant 0 : i32
      %dma_wait3A_32 = arith.constant 0 : i32
      %dma_wait3A_33 = tpu.memref_slice %arg5[%arg0, %dma_wait3A, %dma_wait3A_32] : memref<2x10240x128xf32, #tpu.memory_space<hbm>> -> memref<1x10240x128xf32, #tpu.memory_space<hbm>>
      %dma_wait3A_34 = tpu.memref_squeeze %dma_wait3A_33 : memref<1x10240x128xf32, #tpu.memory_space<hbm>> -> memref<10240x128xf32, #tpu.memory_space<hbm>>
      %dma_wait3A_35 = arith.constant 0 : i32
      %dma_wait3A_36 = tpu.memref_slice %dma_wait3A_34[%mul3A_7, %dma_wait3A_35] : memref<10240x128xf32, #tpu.memory_space<hbm>> -> memref<640x128xf32, #tpu.memory_space<hbm>>
      %dma_wait3A_37 = arith.constant 0 : i32
      %dma_wait3A_38 = tpu.memref_slice %arg9[%mul3A_7, %dma_wait3A_37] : memref<10240x128xf32, #tpu.memory_space<vmem_shared>> -> memref<640x128xf32, #tpu.memory_space<vmem_shared>>
      tpu.wait_dma2 semaphore(%run_scoped3A : memref<!tpu.dma_semaphore, #tpu.memory_space<semaphore_mem>>) src(%dma_wait3A_38 : memref<640x128xf32, #tpu.memory_space<vmem_shared>>) dst(%dma_wait3A_36 : memref<640x128xf32, #tpu.memory_space<hbm>>)
      tpu.yield
    }) : () -> ()
    return
  }
}

module attributes {stable_mosaic.version = 14 : i64} {
  func.func @body(%arg0: i32, %arg1: memref<2x16x10240xf32, #tpu.memory_space<vmem>>, %arg2: memref<10240x8xf32, #tpu.memory_space<vmem>>) attributes {dimension_semantics = [#tpu.dimension_semantics<arbitrary>], iteration_bounds = array<i64: 1>, scalar_prefetch = 0 : i64, scratch_operands = 0 : i64, tpu.core_type = #tpu.core_type<tc>, window_params = [{pipeline_mode = #tpu.pipeline_mode<synchronous>, transform_indices = @transform_0, window_bounds = array<i64: 2, 16, 10240>}, {pipeline_mode = #tpu.pipeline_mode<synchronous>, transform_indices = @transform_1, window_bounds = array<i64: 10240, 8>}]} {
    %get3A = arith.constant 0 : index
    %get3A_0 = arith.constant 0 : index
    %get3A_1 = arith.constant 0 : index
    %get3A_2 = vector.load %arg1[%get3A, %get3A_0, %get3A_1] : memref<2x16x10240xf32, #tpu.memory_space<vmem>>, vector<2x16x10240xf32>
    %slice3A = vector.extract_strided_slice %get3A_2 {offsets = [0, 0, 0], sizes = [1, 16, 10240], strides = [1, 1, 1]} : vector<2x16x10240xf32> to vector<1x16x10240xf32>
    %squeeze3A = vector.shape_cast %slice3A : vector<1x16x10240xf32> to vector<16x10240xf32>
    %slice3A_3 = vector.extract_strided_slice %get3A_2 {offsets = [1, 0, 0], sizes = [1, 16, 10240], strides = [1, 1, 1]} : vector<2x16x10240xf32> to vector<1x16x10240xf32>
    %squeeze3A_4 = vector.shape_cast %slice3A_3 : vector<1x16x10240xf32> to vector<16x10240xf32>
    %add3A = arith.addf %squeeze3A, %squeeze3A_4 : vector<16x10240xf32>
    %reduce_sum3A = arith.constant dense<0.000000e+00> : vector<10240xf32>
    %reduce_sum3A_5 = vector.multi_reduction <add>, %add3A, %reduce_sum3A [0] : vector<16x10240xf32> to vector<10240xf32>
    %add3A_6 = arith.constant 1.000000e+00 : f32
    %add3A_7 = vector.broadcast %add3A_6 : f32 to vector<10240xf32>
    %add3A_8 = arith.addf %reduce_sum3A_5, %add3A_7 : vector<10240xf32>
    %rsqrt3A = math.rsqrt %add3A_8 : vector<10240xf32>
    %max3A = arith.constant 1.000000e+00 : f32
    %max3A_9 = vector.broadcast %max3A : f32 to vector<10240xf32>
    %max3A_10 = arith.maximumf %reduce_sum3A_5, %max3A_9 : vector<10240xf32>
    %broadcast_in_dim3A = arith.constant 0.000000e+00 : f32
    %broadcast_in_dim3A_11 = vector.broadcast %broadcast_in_dim3A : f32 to vector<10240x6xf32>
    %broadcast_in_dim3A_12 = vector.shape_cast %rsqrt3A : vector<10240xf32> to vector<10240x1xf32>
    %broadcast_in_dim3A_13 = vector.shape_cast %max3A_10 : vector<10240xf32> to vector<10240x1xf32>
    %concatenate3A = tpu.concatenate %broadcast_in_dim3A_12, %broadcast_in_dim3A_13, %broadcast_in_dim3A_11 in 1 : vector<10240x1xf32>, vector<10240x1xf32>, vector<10240x6xf32> -> vector<10240x8xf32>
    %swap3A = arith.constant 0 : index
    %swap3A_14 = arith.constant 0 : index
    %swap3A_15 = vector.load %arg2[%swap3A, %swap3A_14] : memref<10240x8xf32, #tpu.memory_space<vmem>>, vector<10240x8xf32>
    tpu.vector_store %arg2[%swap3A, %swap3A_14], %concatenate3A {strides = array<i32>} : memref<10240x8xf32, #tpu.memory_space<vmem>>, vector<10240x8xf32>,
    return
  }
  func.func @transform_0(%arg0: i32) -> (i32, i32, i32) {
    %c0_i32 = arith.constant 0 : i32
    %c0_i32_0 = arith.constant 0 : i32
    %c0_i32_1 = arith.constant 0 : i32
    %c0_i32_2 = arith.constant 0 : i32
    return %c0_i32, %c0_i32_0, %c0_i32_1 : i32, i32, i32
  }
  func.func @transform_1(%arg0: i32) -> (i32, i32) {
    %c0_i32 = arith.constant 0 : i32
    %c0_i32_0 = arith.constant 0 : i32
    %c0_i32_1 = arith.constant 0 : i32
    return %c0_i32, %c0_i32_0 : i32, i32
  }
}

module attributes {stable_mosaic.version = 14 : i64} {
  func.func @body(%arg0: i32, %arg1: memref<1000x128xf32, #tpu.memory_space<vmem>>, %arg2: memref<128x128xf32, #tpu.memory_space<vmem>>, %arg3: memref<1000x8xf32, #tpu.memory_space<vmem>>, %arg4: memref<1000x128xf32, #tpu.memory_space<vmem>>, %arg5: memref<1000x128xf32, #tpu.memory_space<vmem>>) attributes {dimension_semantics = [#tpu.dimension_semantics<arbitrary>], iteration_bounds = array<i64: 10>, scalar_prefetch = 0 : i64, scratch_operands = 0 : i64, tpu.core_type = #tpu.core_type<tc>, window_params = [{transform_indices = @transform_0, window_bounds = array<i64: 1000, 128>}, {pipeline_mode = #tpu.pipeline_mode<synchronous>, transform_indices = @transform_1, window_bounds = array<i64: 128, 128>}, {transform_indices = @transform_2, window_bounds = array<i64: 1000, 8>}, {transform_indices = @transform_3, window_bounds = array<i64: 1000, 128>}, {transform_indices = @transform_4, window_bounds = array<i64: 1000, 128>}]} {
    %get3A = arith.constant 0 : index
    %get3A_0 = arith.constant 0 : index
    %get3A_1 = vector.load %arg3[%get3A, %get3A_0] : memref<1000x8xf32, #tpu.memory_space<vmem>>, vector<1000x8xf32>
    %slice3A = vector.extract_strided_slice %get3A_1 {offsets = [0, 0], sizes = [1000, 1], strides = [1, 1]} : vector<1000x8xf32> to vector<1000x1xf32>
    %squeeze3A = vector.shape_cast %slice3A : vector<1000x1xf32> to vector<1000xf32>
    %get3A_2 = arith.constant 0 : index
    %get3A_3 = arith.constant 0 : index
    %get3A_4 = vector.load %arg1[%get3A_2, %get3A_3] : memref<1000x128xf32, #tpu.memory_space<vmem>>, vector<1000x128xf32>
    %get3A_5 = arith.constant 0 : index
    %get3A_6 = arith.constant 0 : index
    %get3A_7 = vector.load %arg2[%get3A_5, %get3A_6] : memref<128x128xf32, #tpu.memory_space<vmem>>, vector<128x128xf32>
    %dot_general3A = arith.constant dense<0.000000e+00> : vector<1000x128xf32>
    %dot_general3A_8 = tpu.matmul %get3A_4, %get3A_7, %dot_general3A {dimension_numbers = #tpu.dot_dimension_numbers<[1], [0], [0], [1], [0, 0, 1, 1], [], []>, transpose_lhs_hint = false} : vector<1000x128xf32>, vector<128x128xf32>, vector<1000x128xf32> -> vector<1000x128xf32>
    %swap3A = arith.constant 0 : index
    %swap3A_9 = arith.constant 0 : index
    %swap3A_10 = vector.load %arg5[%swap3A, %swap3A_9] : memref<1000x128xf32, #tpu.memory_space<vmem>>, vector<1000x128xf32>
    tpu.vector_store %arg5[%swap3A, %swap3A_9], %dot_general3A_8 {strides = array<i32>} : memref<1000x128xf32, #tpu.memory_space<vmem>>, vector<1000x128xf32>,
    %broadcast_in_dim3A = vector.shape_cast %squeeze3A : vector<1000xf32> to vector<1000x1xf32>
    %mul3A = vector.broadcast %broadcast_in_dim3A : vector<1000x1xf32> to vector<1000x128xf32>
    %mul3A_11 = arith.mulf %dot_general3A_8, %mul3A : vector<1000x128xf32>
    %swap3A_12 = arith.constant 0 : index
    %swap3A_13 = arith.constant 0 : index
    %swap3A_14 = vector.load %arg4[%swap3A_12, %swap3A_13] : memref<1000x128xf32, #tpu.memory_space<vmem>>, vector<1000x128xf32>
    tpu.vector_store %arg4[%swap3A_12, %swap3A_13], %mul3A_11 {strides = array<i32>} : memref<1000x128xf32, #tpu.memory_space<vmem>>, vector<1000x128xf32>,
    return
  }
  func.func @transform_0(%arg0: i32) -> (i32, i32) {
    %c0_i32 = arith.constant 0 : i32
    %c0_i32_0 = arith.constant 0 : i32
    return %arg0, %c0_i32 : i32, i32
  }
  func.func @transform_1(%arg0: i32) -> (i32, i32) {
    %c0_i32 = arith.constant 0 : i32
    %c0_i32_0 = arith.constant 0 : i32
    %c0_i32_1 = arith.constant 0 : i32
    return %c0_i32, %c0_i32_0 : i32, i32
  }
  func.func @transform_2(%arg0: i32) -> (i32, i32) {
    %c0_i32 = arith.constant 0 : i32
    %c0_i32_0 = arith.constant 0 : i32
    return %arg0, %c0_i32 : i32, i32
  }
  func.func @transform_3(%arg0: i32) -> (i32, i32) {
    %c0_i32 = arith.constant 0 : i32
    %c0_i32_0 = arith.constant 0 : i32
    return %arg0, %c0_i32 : i32, i32
  }
  func.func @transform_4(%arg0: i32) -> (i32, i32) {
    %c0_i32 = arith.constant 0 : i32
    %c0_i32_0 = arith.constant 0 : i32
    return %arg0, %c0_i32 : i32, i32
  }
}

module attributes {stable_mosaic.version = 14 : i64} {
  func.func @body(%arg0: i32, %arg1: memref<2x1000x128xf32, #tpu.memory_space<vmem>>, %arg2: memref<1000x128xf32, #tpu.memory_space<vmem>>, %arg3: memref<1000x8xf32, #tpu.memory_space<vmem>>, %arg4: memref<1x128xf32, #tpu.memory_space<vmem>>, %arg5: memref<128x128xf32, #tpu.memory_space<vmem>>, %arg6: memref<1000x128xf32, #tpu.memory_space<vmem>>, %arg7: memref<1000x128xf32, #tpu.memory_space<vmem>>) attributes {dimension_semantics = [#tpu.dimension_semantics<arbitrary>], iteration_bounds = array<i64: 10>, scalar_prefetch = 0 : i64, scratch_operands = 0 : i64, tpu.core_type = #tpu.core_type<tc>, window_params = [{transform_indices = @transform_0, window_bounds = array<i64: 2, 1000, 128>}, {transform_indices = @transform_1, window_bounds = array<i64: 1000, 128>}, {transform_indices = @transform_2, window_bounds = array<i64: 1000, 8>}, {pipeline_mode = #tpu.pipeline_mode<synchronous>, transform_indices = @transform_3, window_bounds = array<i64: 1, 128>}, {pipeline_mode = #tpu.pipeline_mode<synchronous>, transform_indices = @transform_4, window_bounds = array<i64: 128, 128>}, {transform_indices = @transform_5, window_bounds = array<i64: 1000, 128>}, {transform_indices = @transform_6, window_bounds = array<i64: 1000, 128>}]} {
    %get3A = arith.constant 0 : index
    %get3A_0 = arith.constant 0 : index
    %get3A_1 = vector.load %arg3[%get3A, %get3A_0] : memref<1000x8xf32, #tpu.memory_space<vmem>>, vector<1000x8xf32>
    %slice3A = vector.extract_strided_slice %get3A_1 {offsets = [0, 0], sizes = [1000, 1], strides = [1, 1]} : vector<1000x8xf32> to vector<1000x1xf32>
    %squeeze3A = vector.shape_cast %slice3A : vector<1000x1xf32> to vector<1000xf32>
    %get3A_2 = arith.constant 0 : index
    %get3A_3 = arith.constant 0 : index
    %get3A_4 = arith.constant 0 : index
    %get3A_5 = vector.load %arg1[%get3A_2, %get3A_3, %get3A_4] : memref<2x1000x128xf32, #tpu.memory_space<vmem>>, vector<2x1000x128xf32>
    %slice3A_6 = vector.extract_strided_slice %get3A_5 {offsets = [0, 0, 0], sizes = [1, 1000, 128], strides = [1, 1, 1]} : vector<2x1000x128xf32> to vector<1x1000x128xf32>
    %squeeze3A_7 = vector.shape_cast %slice3A_6 : vector<1x1000x128xf32> to vector<1000x128xf32>
    %slice3A_8 = vector.extract_strided_slice %get3A_5 {offsets = [1, 0, 0], sizes = [1, 1000, 128], strides = [1, 1, 1]} : vector<2x1000x128xf32> to vector<1x1000x128xf32>
    %squeeze3A_9 = vector.shape_cast %slice3A_8 : vector<1x1000x128xf32> to vector<1000x128xf32>
    %add3A = arith.addf %squeeze3A_7, %squeeze3A_9 : vector<1000x128xf32>
    %broadcast_in_dim3A = vector.shape_cast %squeeze3A : vector<1000xf32> to vector<1000x1xf32>
    %mul3A = vector.broadcast %broadcast_in_dim3A : vector<1000x1xf32> to vector<1000x128xf32>
    %mul3A_10 = arith.mulf %add3A, %mul3A : vector<1000x128xf32>
    %get3A_11 = arith.constant 0 : index
    %get3A_12 = arith.constant 0 : index
    %get3A_13 = vector.load %arg2[%get3A_11, %get3A_12] : memref<1000x128xf32, #tpu.memory_space<vmem>>, vector<1000x128xf32>
    %mul3A_14 = arith.mulf %squeeze3A, %squeeze3A : vector<1000xf32>
    %broadcast_in_dim3A_15 = vector.shape_cast %mul3A_14 : vector<1000xf32> to vector<1000x1xf32>
    %mul3A_16 = vector.broadcast %broadcast_in_dim3A_15 : vector<1000x1xf32> to vector<1000x128xf32>
    %mul3A_17 = arith.mulf %get3A_13, %mul3A_16 : vector<1000x128xf32>
    %add3A_18 = arith.addf %mul3A_10, %mul3A_17 : vector<1000x128xf32>
    %get3A_19 = arith.constant 0 : index
    %get3A_20 = arith.constant 0 : index
    %get3A_21 = vector.load %arg4[%get3A_19, %get3A_20] : memref<1x128xf32, #tpu.memory_space<vmem>>, vector<1x128xf32>
    %add3A_22 = vector.broadcast %get3A_21 : vector<1x128xf32> to vector<1000x128xf32>
    %add3A_23 = arith.addf %add3A_18, %add3A_22 : vector<1000x128xf32>
    %max3A = arith.constant 0.000000e+00 : f32
    %max3A_24 = vector.broadcast %max3A : f32 to vector<1000x128xf32>
    %max3A_25 = arith.maximumf %add3A_23, %max3A_24 : vector<1000x128xf32>
    %swap3A = arith.constant 0 : index
    %swap3A_26 = arith.constant 0 : index
    %swap3A_27 = vector.load %arg6[%swap3A, %swap3A_26] : memref<1000x128xf32, #tpu.memory_space<vmem>>, vector<1000x128xf32>
    tpu.vector_store %arg6[%swap3A, %swap3A_26], %max3A_25 {strides = array<i32>} : memref<1000x128xf32, #tpu.memory_space<vmem>>, vector<1000x128xf32>,
    %get3A_28 = arith.constant 0 : index
    %get3A_29 = arith.constant 0 : index
    %get3A_30 = vector.load %arg5[%get3A_28, %get3A_29] : memref<128x128xf32, #tpu.memory_space<vmem>>, vector<128x128xf32>
    %dot_general3A = arith.constant dense<0.000000e+00> : vector<1000x128xf32>
    %dot_general3A_31 = tpu.matmul %max3A_25, %get3A_30, %dot_general3A {dimension_numbers = #tpu.dot_dimension_numbers<[1], [0], [0], [1], [0, 0, 1, 1], [], []>, transpose_lhs_hint = false} : vector<1000x128xf32>, vector<128x128xf32>, vector<1000x128xf32> -> vector<1000x128xf32>
    %swap3A_32 = arith.constant 0 : index
    %swap3A_33 = arith.constant 0 : index
    %swap3A_34 = vector.load %arg7[%swap3A_32, %swap3A_33] : memref<1000x128xf32, #tpu.memory_space<vmem>>, vector<1000x128xf32>
    tpu.vector_store %arg7[%swap3A_32, %swap3A_33], %dot_general3A_31 {strides = array<i32>} : memref<1000x128xf32, #tpu.memory_space<vmem>>, vector<1000x128xf32>,
    return
  }
  func.func @transform_0(%arg0: i32) -> (i32, i32, i32) {
    %c0_i32 = arith.constant 0 : i32
    %c0_i32_0 = arith.constant 0 : i32
    %c0_i32_1 = arith.constant 0 : i32
    return %c0_i32, %arg0, %c0_i32_0 : i32, i32, i32
  }
  func.func @transform_1(%arg0: i32) -> (i32, i32) {
    %c0_i32 = arith.constant 0 : i32
    %c0_i32_0 = arith.constant 0 : i32
    return %arg0, %c0_i32 : i32, i32
  }
  func.func @transform_2(%arg0: i32) -> (i32, i32) {
    %c0_i32 = arith.constant 0 : i32
    %c0_i32_0 = arith.constant 0 : i32
    return %arg0, %c0_i32 : i32, i32
  }
  func.func @transform_3(%arg0: i32) -> (i32, i32) {
    %c0_i32 = arith.constant 0 : i32
    %c0_i32_0 = arith.constant 0 : i32
    %c0_i32_1 = arith.constant 0 : i32
    return %c0_i32, %c0_i32_0 : i32, i32
  }
  func.func @transform_4(%arg0: i32) -> (i32, i32) {
    %c0_i32 = arith.constant 0 : i32
    %c0_i32_0 = arith.constant 0 : i32
    %c0_i32_1 = arith.constant 0 : i32
    return %c0_i32, %c0_i32_0 : i32, i32
  }
  func.func @transform_5(%arg0: i32) -> (i32, i32) {
    %c0_i32 = arith.constant 0 : i32
    %c0_i32_0 = arith.constant 0 : i32
    return %arg0, %c0_i32 : i32, i32
  }
  func.func @transform_6(%arg0: i32) -> (i32, i32) {
    %c0_i32 = arith.constant 0 : i32
    %c0_i32_0 = arith.constant 0 : i32
    return %arg0, %c0_i32 : i32, i32
  }
}

module attributes {stable_mosaic.version = 14 : i64} {
  func.func @body(%arg0: i32, %arg1: memref<2x1000x128xf32, #tpu.memory_space<vmem>>, %arg2: memref<1000x128xf32, #tpu.memory_space<vmem>>, %arg3: memref<1000x8xf32, #tpu.memory_space<vmem>>, %arg4: memref<1x128xf32, #tpu.memory_space<vmem>>, %arg5: memref<128x128xf32, #tpu.memory_space<vmem>>, %arg6: memref<128x128xf32, #tpu.memory_space<vmem>>, %arg7: memref<1000x128xf32, #tpu.memory_space<vmem>>, %arg8: memref<1000x128xf32, #tpu.memory_space<vmem>>) attributes {dimension_semantics = [#tpu.dimension_semantics<arbitrary>], iteration_bounds = array<i64: 10>, scalar_prefetch = 0 : i64, scratch_operands = 0 : i64, tpu.core_type = #tpu.core_type<tc>, window_params = [{transform_indices = @transform_0, window_bounds = array<i64: 2, 1000, 128>}, {transform_indices = @transform_1, window_bounds = array<i64: 1000, 128>}, {transform_indices = @transform_2, window_bounds = array<i64: 1000, 8>}, {pipeline_mode = #tpu.pipeline_mode<synchronous>, transform_indices = @transform_3, window_bounds = array<i64: 1, 128>}, {pipeline_mode = #tpu.pipeline_mode<synchronous>, transform_indices = @transform_4, window_bounds = array<i64: 128, 128>}, {pipeline_mode = #tpu.pipeline_mode<synchronous>, transform_indices = @transform_5, window_bounds = array<i64: 128, 128>}, {transform_indices = @transform_6, window_bounds = array<i64: 1000, 128>}, {transform_indices = @transform_7, window_bounds = array<i64: 1000, 128>}]} {
    %get3A = arith.constant 0 : index
    %get3A_0 = arith.constant 0 : index
    %get3A_1 = vector.load %arg3[%get3A, %get3A_0] : memref<1000x8xf32, #tpu.memory_space<vmem>>, vector<1000x8xf32>
    %slice3A = vector.extract_strided_slice %get3A_1 {offsets = [0, 0], sizes = [1000, 1], strides = [1, 1]} : vector<1000x8xf32> to vector<1000x1xf32>
    %squeeze3A = vector.shape_cast %slice3A : vector<1000x1xf32> to vector<1000xf32>
    %slice3A_2 = vector.extract_strided_slice %get3A_1 {offsets = [0, 1], sizes = [1000, 1], strides = [1, 1]} : vector<1000x8xf32> to vector<1000x1xf32>
    %squeeze3A_3 = vector.shape_cast %slice3A_2 : vector<1000x1xf32> to vector<1000xf32>
    %get3A_4 = arith.constant 0 : index
    %get3A_5 = arith.constant 0 : index
    %get3A_6 = arith.constant 0 : index
    %get3A_7 = vector.load %arg1[%get3A_4, %get3A_5, %get3A_6] : memref<2x1000x128xf32, #tpu.memory_space<vmem>>, vector<2x1000x128xf32>
    %slice3A_8 = vector.extract_strided_slice %get3A_7 {offsets = [0, 0, 0], sizes = [1, 1000, 128], strides = [1, 1, 1]} : vector<2x1000x128xf32> to vector<1x1000x128xf32>
    %squeeze3A_9 = vector.shape_cast %slice3A_8 : vector<1x1000x128xf32> to vector<1000x128xf32>
    %slice3A_10 = vector.extract_strided_slice %get3A_7 {offsets = [1, 0, 0], sizes = [1, 1000, 128], strides = [1, 1, 1]} : vector<2x1000x128xf32> to vector<1x1000x128xf32>
    %squeeze3A_11 = vector.shape_cast %slice3A_10 : vector<1x1000x128xf32> to vector<1000x128xf32>
    %add3A = arith.addf %squeeze3A_9, %squeeze3A_11 : vector<1000x128xf32>
    %broadcast_in_dim3A = vector.shape_cast %squeeze3A_3 : vector<1000xf32> to vector<1000x1xf32>
    %div3A = vector.broadcast %broadcast_in_dim3A : vector<1000x1xf32> to vector<1000x128xf32>
    %div3A_12 = arith.divf %add3A, %div3A : vector<1000x128xf32>
    %get3A_13 = arith.constant 0 : index
    %get3A_14 = arith.constant 0 : index
    %get3A_15 = vector.load %arg5[%get3A_13, %get3A_14] : memref<128x128xf32, #tpu.memory_space<vmem>>, vector<128x128xf32>
    %dot_general3A = arith.constant dense<0.000000e+00> : vector<1000x128xf32>
    %dot_general3A_16 = tpu.matmul %div3A_12, %get3A_15, %dot_general3A {dimension_numbers = #tpu.dot_dimension_numbers<[1], [0], [0], [1], [0, 0, 1, 1], [], []>, transpose_lhs_hint = false} : vector<1000x128xf32>, vector<128x128xf32>, vector<1000x128xf32> -> vector<1000x128xf32>
    %get3A_17 = arith.constant 0 : index
    %get3A_18 = arith.constant 0 : index
    %get3A_19 = vector.load %arg2[%get3A_17, %get3A_18] : memref<1000x128xf32, #tpu.memory_space<vmem>>, vector<1000x128xf32>
    %add3A_20 = arith.addf %dot_general3A_16, %get3A_19 : vector<1000x128xf32>
    %get3A_21 = arith.constant 0 : index
    %get3A_22 = arith.constant 0 : index
    %get3A_23 = vector.load %arg4[%get3A_21, %get3A_22] : memref<1x128xf32, #tpu.memory_space<vmem>>, vector<1x128xf32>
    %add3A_24 = vector.broadcast %get3A_23 : vector<1x128xf32> to vector<1000x128xf32>
    %add3A_25 = arith.addf %add3A_20, %add3A_24 : vector<1000x128xf32>
    %max3A = arith.constant 0.000000e+00 : f32
    %max3A_26 = vector.broadcast %max3A : f32 to vector<1000x128xf32>
    %max3A_27 = arith.maximumf %add3A_25, %max3A_26 : vector<1000x128xf32>
    %get3A_28 = arith.constant 0 : index
    %get3A_29 = arith.constant 0 : index
    %get3A_30 = vector.load %arg6[%get3A_28, %get3A_29] : memref<128x128xf32, #tpu.memory_space<vmem>>, vector<128x128xf32>
    %dot_general3A_31 = arith.constant dense<0.000000e+00> : vector<1000x128xf32>
    %dot_general3A_32 = tpu.matmul %max3A_27, %get3A_30, %dot_general3A_31 {dimension_numbers = #tpu.dot_dimension_numbers<[1], [0], [0], [1], [0, 0, 1, 1], [], []>, transpose_lhs_hint = false} : vector<1000x128xf32>, vector<128x128xf32>, vector<1000x128xf32> -> vector<1000x128xf32>
    %swap3A = arith.constant 0 : index
    %swap3A_33 = arith.constant 0 : index
    %swap3A_34 = vector.load %arg8[%swap3A, %swap3A_33] : memref<1000x128xf32, #tpu.memory_space<vmem>>, vector<1000x128xf32>
    tpu.vector_store %arg8[%swap3A, %swap3A_33], %dot_general3A_32 {strides = array<i32>} : memref<1000x128xf32, #tpu.memory_space<vmem>>, vector<1000x128xf32>,
    %broadcast_in_dim3A_35 = vector.shape_cast %squeeze3A : vector<1000xf32> to vector<1000x1xf32>
    %mul3A = vector.broadcast %broadcast_in_dim3A_35 : vector<1000x1xf32> to vector<1000x128xf32>
    %mul3A_36 = arith.mulf %dot_general3A_32, %mul3A : vector<1000x128xf32>
    %swap3A_37 = arith.constant 0 : index
    %swap3A_38 = arith.constant 0 : index
    %swap3A_39 = vector.load %arg7[%swap3A_37, %swap3A_38] : memref<1000x128xf32, #tpu.memory_space<vmem>>, vector<1000x128xf32>
    tpu.vector_store %arg7[%swap3A_37, %swap3A_38], %mul3A_36 {strides = array<i32>} : memref<1000x128xf32, #tpu.memory_space<vmem>>, vector<1000x128xf32>,
    return
  }
  func.func @transform_0(%arg0: i32) -> (i32, i32, i32) {
    %c0_i32 = arith.constant 0 : i32
    %c0_i32_0 = arith.constant 0 : i32
    %c0_i32_1 = arith.constant 0 : i32
    return %c0_i32, %arg0, %c0_i32_0 : i32, i32, i32
  }
  func.func @transform_1(%arg0: i32) -> (i32, i32) {
    %c0_i32 = arith.constant 0 : i32
    %c0_i32_0 = arith.constant 0 : i32
    return %arg0, %c0_i32 : i32, i32
  }
  func.func @transform_2(%arg0: i32) -> (i32, i32) {
    %c0_i32 = arith.constant 0 : i32
    %c0_i32_0 = arith.constant 0 : i32
    return %arg0, %c0_i32 : i32, i32
  }
  func.func @transform_3(%arg0: i32) -> (i32, i32) {
    %c0_i32 = arith.constant 0 : i32
    %c0_i32_0 = arith.constant 0 : i32
    %c0_i32_1 = arith.constant 0 : i32
    return %c0_i32, %c0_i32_0 : i32, i32
  }
  func.func @transform_4(%arg0: i32) -> (i32, i32) {
    %c0_i32 = arith.constant 0 : i32
    %c0_i32_0 = arith.constant 0 : i32
    %c0_i32_1 = arith.constant 0 : i32
    return %c0_i32, %c0_i32_0 : i32, i32
  }
  func.func @transform_5(%arg0: i32) -> (i32, i32) {
    %c0_i32 = arith.constant 0 : i32
    %c0_i32_0 = arith.constant 0 : i32
    %c0_i32_1 = arith.constant 0 : i32
    return %c0_i32, %c0_i32_0 : i32, i32
  }
  func.func @transform_6(%arg0: i32) -> (i32, i32) {
    %c0_i32 = arith.constant 0 : i32
    %c0_i32_0 = arith.constant 0 : i32
    return %arg0, %c0_i32 : i32, i32
  }
  func.func @transform_7(%arg0: i32) -> (i32, i32) {
    %c0_i32 = arith.constant 0 : i32
    %c0_i32_0 = arith.constant 0 : i32
    return %arg0, %c0_i32 : i32, i32
  }
}

module attributes {stable_mosaic.version = 14 : i64} {
  func.func @body(%arg0: i32, %arg1: memref<2x1000x128xf32, #tpu.memory_space<vmem>>, %arg2: memref<1000x128xf32, #tpu.memory_space<vmem>>, %arg3: memref<1000x8xf32, #tpu.memory_space<vmem>>, %arg4: memref<1x128xf32, #tpu.memory_space<vmem>>, %arg5: memref<1000x128xf32, #tpu.memory_space<vmem>>) attributes {dimension_semantics = [#tpu.dimension_semantics<arbitrary>], iteration_bounds = array<i64: 10>, scalar_prefetch = 0 : i64, scratch_operands = 0 : i64, tpu.core_type = #tpu.core_type<tc>, window_params = [{transform_indices = @transform_0, window_bounds = array<i64: 2, 1000, 128>}, {transform_indices = @transform_1, window_bounds = array<i64: 1000, 128>}, {transform_indices = @transform_2, window_bounds = array<i64: 1000, 8>}, {pipeline_mode = #tpu.pipeline_mode<synchronous>, transform_indices = @transform_3, window_bounds = array<i64: 1, 128>}, {transform_indices = @transform_4, window_bounds = array<i64: 1000, 128>}]} {
    %get3A = arith.constant 0 : index
    %get3A_0 = arith.constant 0 : index
    %get3A_1 = vector.load %arg3[%get3A, %get3A_0] : memref<1000x8xf32, #tpu.memory_space<vmem>>, vector<1000x8xf32>
    %slice3A = vector.extract_strided_slice %get3A_1 {offsets = [0, 0], sizes = [1000, 1], strides = [1, 1]} : vector<1000x8xf32> to vector<1000x1xf32>
    %squeeze3A = vector.shape_cast %slice3A : vector<1000x1xf32> to vector<1000xf32>
    %get3A_2 = arith.constant 0 : index
    %get3A_3 = arith.constant 0 : index
    %get3A_4 = arith.constant 0 : index
    %get3A_5 = vector.load %arg1[%get3A_2, %get3A_3, %get3A_4] : memref<2x1000x128xf32, #tpu.memory_space<vmem>>, vector<2x1000x128xf32>
    %slice3A_6 = vector.extract_strided_slice %get3A_5 {offsets = [0, 0, 0], sizes = [1, 1000, 128], strides = [1, 1, 1]} : vector<2x1000x128xf32> to vector<1x1000x128xf32>
    %squeeze3A_7 = vector.shape_cast %slice3A_6 : vector<1x1000x128xf32> to vector<1000x128xf32>
    %slice3A_8 = vector.extract_strided_slice %get3A_5 {offsets = [1, 0, 0], sizes = [1, 1000, 128], strides = [1, 1, 1]} : vector<2x1000x128xf32> to vector<1x1000x128xf32>
    %squeeze3A_9 = vector.shape_cast %slice3A_8 : vector<1x1000x128xf32> to vector<1000x128xf32>
    %add3A = arith.addf %squeeze3A_7, %squeeze3A_9 : vector<1000x128xf32>
    %broadcast_in_dim3A = vector.shape_cast %squeeze3A : vector<1000xf32> to vector<1000x1xf32>
    %mul3A = vector.broadcast %broadcast_in_dim3A : vector<1000x1xf32> to vector<1000x128xf32>
    %mul3A_10 = arith.mulf %add3A, %mul3A : vector<1000x128xf32>
    %get3A_11 = arith.constant 0 : index
    %get3A_12 = arith.constant 0 : index
    %get3A_13 = vector.load %arg2[%get3A_11, %get3A_12] : memref<1000x128xf32, #tpu.memory_space<vmem>>, vector<1000x128xf32>
    %mul3A_14 = arith.mulf %squeeze3A, %squeeze3A : vector<1000xf32>
    %broadcast_in_dim3A_15 = vector.shape_cast %mul3A_14 : vector<1000xf32> to vector<1000x1xf32>
    %mul3A_16 = vector.broadcast %broadcast_in_dim3A_15 : vector<1000x1xf32> to vector<1000x128xf32>
    %mul3A_17 = arith.mulf %get3A_13, %mul3A_16 : vector<1000x128xf32>
    %add3A_18 = arith.addf %mul3A_10, %mul3A_17 : vector<1000x128xf32>
    %get3A_19 = arith.constant 0 : index
    %get3A_20 = arith.constant 0 : index
    %get3A_21 = vector.load %arg4[%get3A_19, %get3A_20] : memref<1x128xf32, #tpu.memory_space<vmem>>, vector<1x128xf32>
    %add3A_22 = vector.broadcast %get3A_21 : vector<1x128xf32> to vector<1000x128xf32>
    %add3A_23 = arith.addf %add3A_18, %add3A_22 : vector<1000x128xf32>
    %swap3A = arith.constant 0 : index
    %swap3A_24 = arith.constant 0 : index
    %swap3A_25 = vector.load %arg5[%swap3A, %swap3A_24] : memref<1000x128xf32, #tpu.memory_space<vmem>>, vector<1000x128xf32>
    tpu.vector_store %arg5[%swap3A, %swap3A_24], %add3A_23 {strides = array<i32>} : memref<1000x128xf32, #tpu.memory_space<vmem>>, vector<1000x128xf32>,
    return
  }
  func.func @transform_0(%arg0: i32) -> (i32, i32, i32) {
    %c0_i32 = arith.constant 0 : i32
    %c0_i32_0 = arith.constant 0 : i32
    %c0_i32_1 = arith.constant 0 : i32
    return %c0_i32, %arg0, %c0_i32_0 : i32, i32, i32
  }
  func.func @transform_1(%arg0: i32) -> (i32, i32) {
    %c0_i32 = arith.constant 0 : i32
    %c0_i32_0 = arith.constant 0 : i32
    return %arg0, %c0_i32 : i32, i32
  }
  func.func @transform_2(%arg0: i32) -> (i32, i32) {
    %c0_i32 = arith.constant 0 : i32
    %c0_i32_0 = arith.constant 0 : i32
    return %arg0, %c0_i32 : i32, i32
  }
  func.func @transform_3(%arg0: i32) -> (i32, i32) {
    %c0_i32 = arith.constant 0 : i32
    %c0_i32_0 = arith.constant 0 : i32
    %c0_i32_1 = arith.constant 0 : i32
    return %c0_i32, %c0_i32_0 : i32, i32
  }
  func.func @transform_4(%arg0: i32) -> (i32, i32) {
    %c0_i32 = arith.constant 0 : i32
    %c0_i32_0 = arith.constant 0 : i32
    return %arg0, %c0_i32 : i32, i32
  }
}

</mosaic_0001>

<sc_bundles>
// kernel: kernel.11.cloned.1.call-start
scs
__scs_entry_jumppad:
0x0: {  	(pc) =	sbr.rel $0x88, $3  }
0x1: {  	(tag) =	ssettag $0x0;
	lr =	simm.s32 $0x1  }
0x2: {  	[smem:$0x3F98] =	sst lr;
	_ =	strace $0xD0000000  }
0x3: {  	_ = 	snop  }
0x4: {  	_ = 	snop  }
0x5: {  	_ = 	snop  }
0x6: {  	_ = 	snop  }
0x7: {  	_ = 	snop  }
__scs_overlays_trampoline_lowered:
0x8: {  	[smem:$0x3FA7] =	sst s0  }
0x9: {  	[smem:$0x3FA8] =	sst s1  }
0xa: {  	[smem:$0x3FA9] =	sst s2  }
0xb: {  	[smem:$0x3FAA] =	sst s3  }
0xc: {  	[smem:$0x3FAB] =	sst s4  }
0xd: {  	[smem:$0x3FAC] =	sst s5  }
0xe: {  	[smem:$0x3FAD] =	sst s6  }
0xf: {  	[smem:$0x3FAE] =	sst s7  }
0x10: {  	[smem:$0x3FAF] =	sst s8  }
0x11: {  	[smem:$0x3FB0] =	sst s9;
	s0 =	simm.s32 @!p0 $0x0  }
0x12: {  	s1 =	sld [smem:$0x3F96];
	s0 =	simm.s32 @p0 $0x1  }
0x13: {  	[smem:$0x3FB1] =	sst s0;
	s0 =	simm.s32 @!p1 $0x0  }
0x14: {  	s2 =	sld [smem:$0x3F95];
	s0 =	simm.s32 @p1 $0x1  }
0x15: {  	[smem:$0x3FB2] =	sst s0;
	s0 =	simm.s32 @!p2 $0x0  }
0x16: {  	s3 =	sld [smem:$0x3FDB];
	s0 =	simm.s32 @p2 $0x1  }
0x17: {  	s4 =	simm.s32 $0x1BF5;
	[smem:$0x3FB4] =	sst s0  }
0x18: {  	s0 =	sld [smem:$0x3F97];
	_ =	swait.ge [sflag:s4], $0x0  }
0x19: {  	s7 =	sld [smem:$0x3F98]  }
0x1a: {  	s8 =	sadd.s32 $0xFFFFE003, lr  }
0x1b: {  	s9 =	sadd.s32 $0xFFFFFEF7, lr;
	s5 =	simm.s32 $0xFFFFFFFF;
	p2 =	slt.u32 s8, $0xFFFFF086  }
0x1c: {  	p1 =	slt.u32 s9, $0xF7A;
	s5 =	simm.s32 @!p2 $0x0  }
0x1d: {  	s5 =	simm.s32 @p1 $0x1;
	p0 =	seq.s32 s7, s2  }
0x1e: {  	s7 =	smul.u32 @!p0 $0xF7A, s2;
	p2 =	seq.s32 @!p0 s5, $0x0  }
0x1f: {  	s9 =	smul.u32 $0xF7A, s1;
	s8 =	simm.s32 @!p0 $0x1BF5;
	p2 =	por !p2, p0  }
0x20: {  	[sflag:s8] =	ssyncset.s32 @!p0 $0xFFFFF086;
	s6 =	sadd.s32 @!p0 s3, s7;
	s7 =	simm.s32 @!p0 $0x108  }
0x21: {  	s3 =	sadd.s32 s3, s9;
	s6 =	sadd.s32 @!p0 $0x88, s6;
	s7 =	simm.s32 @p2 $0x1082  }
0x22: {  	[simem:s7], [sflag:s8] =	dma.local @!p0 [hbm:s6], $0xF7A  }
0x23: {  	s9 =	sor.u32 $0xD0000000, s2;
	s6 =	simm.s32 $0x108;
	_ =	swait.ge @!p0 [sflag:s8], $0x0  }
0x24: {  	s3 =	sadd.s32 $0x88, s3;
	s6 =	simm.s32 @!p1 $0x1082;
	[sflag:s4] =	ssyncset.s32 $0xFFFFF086  }
0x25: {  	[simem:s6], [sflag:s4] =	dma.local [hbm:s3], $0xF7A  }
0x26: {  	[smem:$0x3F98] =	sst s1;
	(tag) =	ssettag s2;
	_ =	strace s9  }
0x27: {  	s1 =	sld [smem:$0x3FA8]  }
0x28: {  	s2 =	sld [smem:$0x3FA9]  }
0x29: {  	s4 =	sld [smem:$0x3FAB]  }
0x2a: {  	p0 =	seq.s32 s5, $0x0;
	s5 =	sld [smem:$0x3FAC]  }
0x2b: {  	s6 =	sld [smem:$0x3FAD]  }
0x2c: {  	s7 =	sld [smem:$0x3FAE]  }
0x2d: {  	s3 =	simm.s32 $0x108;
	s8 =	sld [smem:$0x3FAF]  }
0x2e: {  	s3 =	simm.s32 @!p0 $0x1082;
	s9 =	sld [smem:$0x3FB0]  }
0x2f: {  	lr =	sadd.s32 s0, s3;
	s0 =	sld [smem:$0x3FA7]  }
0x30: {  	s3 =	sld [smem:$0x3FAA]  }
0x31: {  	[smem:$0x3FB3] =	sst s10  }
0x32: {  	s10 =	sld [smem:$0x3FB1];
	_ =	sdelay $0x3  }
0x33: {  	p0 =	seq.s32 s10, $0x1;
	s10 =	sld [smem:$0x3FB3];
	_ =	sdelay $0x3  }
0x34: {  	[smem:$0x3FB3] =	sst s10  }
0x35: {  	s10 =	sld [smem:$0x3FB2];
	_ =	sdelay $0x3  }
0x36: {  	p1 =	seq.s32 s10, $0x1;
	s10 =	sld [smem:$0x3FB3];
	_ =	sdelay $0x3  }
0x37: {  	[smem:$0x3FB3] =	sst s10  }
0x38: {  	s10 =	sld [smem:$0x3FB4]  }
0x39: {  	_ = 	snop;
	(pc) =	sbr.ind lr, $3  }
0x3a: {  	_ = 	snop  }
0x3b: {  	_ = 	snop  }
0x3c: {  	p2 =	seq.s32 s10, $0x1;
	s10 =	sld [smem:$0x3FB3]  }
0x3d: {  	_ =	shalt  }
0x3e: {  	_ =	shalt  }
0x3f: {  	_ =	shalt  }
0x40: {  	_ =	shalt  }
0x41: {  	_ =	shalt  }
0x42: {  	_ =	shalt  }
0x43: {  	_ =	shalt  }
0x44: {  	_ =	shalt  }
0x45: {  	_ =	shalt  }
0x46: {  	_ =	shalt  }
0x47: {  	_ =	shalt  }
0x48: {  	_ =	shalt  }
0x49: {  	_ =	shalt  }
0x4a: {  	_ =	shalt  }
0x4b: {  	_ =	shalt  }
0x4c: {  	_ =	shalt  }
0x4d: {  	_ =	shalt  }
0x4e: {  	_ =	shalt  }
0x4f: {  	_ =	shalt  }
0x50: {  	_ =	shalt  }
0x51: {  	_ =	shalt  }
0x52: {  	_ =	shalt  }
0x53: {  	_ =	shalt  }
0x54: {  	_ =	shalt  }
0x55: {  	_ =	shalt  }
0x56: {  	_ =	shalt  }
0x57: {  	_ =	shalt  }
0x58: {  	_ =	shalt  }
0x59: {  	_ =	shalt  }
0x5a: {  	_ =	shalt  }
0x5b: {  	_ =	shalt  }
0x5c: {  	_ =	shalt  }
0x5d: {  	_ =	shalt  }
0x5e: {  	_ =	shalt  }
0x5f: {  	_ =	shalt  }
0x60: {  	_ =	shalt  }
0x61: {  	_ =	shalt  }
0x62: {  	_ =	shalt  }
0x63: {  	_ =	shalt  }
0x64: {  	_ =	shalt  }
0x65: {  	_ =	shalt  }
0x66: {  	_ =	shalt  }
0x67: {  	_ =	shalt  }
0x68: {  	_ =	shalt  }
0x69: {  	_ =	shalt  }
0x6a: {  	_ =	shalt  }
0x6b: {  	_ =	shalt  }
0x6c: {  	_ =	shalt  }
0x6d: {  	_ =	shalt  }
0x6e: {  	_ =	shalt  }
0x6f: {  	_ =	shalt  }
0x70: {  	_ =	shalt  }
0x71: {  	_ =	shalt  }
0x72: {  	_ =	shalt  }
0x73: {  	_ =	shalt  }
0x74: {  	_ =	shalt  }
0x75: {  	_ =	shalt  }
0x76: {  	_ =	shalt  }
0x77: {  	_ =	shalt  }
0x78: {  	_ =	shalt  }
0x79: {  	_ =	shalt  }
0x7a: {  	_ =	shalt  }
0x7b: {  	_ =	shalt  }
0x7c: {  	_ =	shalt  }
0x7d: {  	_ =	shalt  }
0x7e: {  	_ =	shalt  }
0x7f: {  	_ =	shalt  }
0x80: {  	_ =	shalt  }
0x81: {  	_ =	shalt  }
0x82: {  	_ =	shalt  }
0x83: {  	_ =	shalt  }
0x84: {  	_ =	shalt  }
0x85: {  	_ =	shalt  }
0x86: {  	_ =	shalt  }
0x87: {  	_ =	shalt  }
.Lfunc_end0:
.L_simem_size_0:
called_computation_lowered:
.L_overlay_start_0:
0x88: {  	s2 =	sld [smem:$0x3FD9]  }
0x89: {  	s3 =	sld [smem:$0x3FFE];
	_ =	sdelay $0x1  }
0x8a: {  	s1 =	srdreg.scid  }
0x8b: {  	s0 =	sand.u32 $0x1, s1  }
0x8c: {  	s17 =	sshll.u32 s0, $0xA;
	s2 =	sadd.s32 s3, s2  }
0x8d: {  	s2 =	sadd.s32 s2, s17  }
0x8e: {  	[smem:$0x3FBF] =	sst s2  }
0x8f: {  	_ = 	snop  }
0x90: {  	s2 =	sld [smem:$0x3FD0];
	(tm) =	ssettm $0x1  }
0x91: {  	s18 =	sld [smem:$0x3FFB];
	_ =	sdelay $0x3  }
0x92: {  	_ =	strace s18  }
0x93: {  	s3 =	sld [smem:$0x3FFC];
	_ =	sdelay $0x3  }
0x94: {  	_ =	strace s3  }
0x95: {  	s3 =	sld [smem:$0x3FFD];
	_ =	sdelay $0x3  }
0x96: {  	_ =	strace s3  }
0x97: {  	_ =	strace $0x8FFFFFFF  }
0x98: {  	s19 =	sld [smem:$0x3FDB];
	_ =	sdelay $0x1  }
0x99: {  	s4 =	simm.s32 $_scs_section_size  }
0x9a: {  	s5 =	simm.s32 $_size__tile_overlayer_lowered;
	s6 =	simm.s32 $_tile_overlayer_lowered  }
0x9b: {  	s22 =	simm.s32 $0x1BFF;
	s21 =	sshll.u32 s6, $0x1;
	s3 =	sadd.s32 s4, s19  }
0x9c: {  	s7 =	simm.s32 $0x0;
	s20 =	sshll.u32 s5, $0x1;
	s5 =	sadd.s32 s21, s3  }
0x9d: {  	[timem:s7], [sflag:s22] =	dma.local [hbm:s5], s20  }
0x9e: {  	_ =	swait.ge [sflag:s22], s20  }
0x9f: {  	s4 =	ssub.s32 $0x0, s20;
	[sflag:s22] =	ssyncset.done $0x0  }
0xa0: {  	[sflag:s22] =	ssyncadd.s32 s4;
	_ =	sdelay $0x1  }
0xa1: {  	s23 =	simm.s32 $0x1B8B  }
0xa2: {  	_ =	swait.ge [sflag:s23], $0x1  }
0xa3: {  	[sflag:s23] =	ssyncset.done $0x0  }
0xa4: {  	s25 =	simm.s32 $0x1B8E;
	s24 =	sld [smem:$0x3FFE];
	[sflag:s23] =	ssyncadd.s32 $0xFFFFFFFF  }
0xa5: {  	s26 =	simm.s32 $execute0_lowered;
	[smem:$0x3FD2] =	sst s25  }
0xa6: {  	s5 =	sshll.u32 s26, $0x1;
	_ =	strace $0x80000046;
	[dreg:$0x1] =	wrdreg $0xFFFFFFFF  }
0xa7: {  	s28 =	simm.s32 $_size_execute0_lowered;
	s3 =	sadd.s32 s3, s5;
	[dreg:$0x0] =	wrdreg $0x0  }
0xa8: {  	s5 =	sshll.u32 s28, $0x1;
	[dreg:$0x2] =	wrdreg s3  }
0xa9: {  	[dreg:$0x3] =	wrdreg s5  }
0xaa: {  	[dreg:$0x4] =	wrdreg $0xC0  }
0xab: {  	_ =	task [dreg:s7], $0x5FFFF  }
0xac: {  	[dreg:$0x1] =	wrdreg $0xFFFFFFFF  }
0xad: {  	[dreg:$0x0] =	wrdreg $0x60  }
0xae: {  	[dreg:$0x2] =	wrdreg s24  }
0xaf: {  	[dreg:$0x3] =	wrdreg s2  }
0xb0: {  	[dreg:$0x4] =	wrdreg $0x9  }
0xb1: {  	_ =	task.clear_ibuf [dreg:s7], $0x5FFFF;
	_ =	strace $0x90000046  }
0xb2: {  	s29 =	simm.s32 $0x9;
	_ =	strace $0x80000048  }
0xb3: {  	_ =	swait.ge [sflag:s29], $0x1  }
0xb4: {  	[sflag:s29] =	ssyncadd.s32 $0xFFFFFFFF  }
0xb5: {  	_ =	strace $0x90000048  }
0xb6: {  	_ =	sfence  }
0xb7: {  	s30 =	sld [smem:$0x0];
	_ =	sdelay $0x2  }
0xb8: {  	s31 =	sshll.u32 s1, $0xD;
	s1 =	sshrl.u32 s1, $0x2  }
0xb9: {  	s3 =	sand.u32 $0x4000, s31;
	s1 =	sadd.s32 s1, s30  }
0xba: {  	s0 =	sor.u32 s3, s0;
	s1 =	sshll.u32 s1, $0x11  }
0xbb: {  	s0 =	sor.u32 s1, s0  }
0xbc: {  	s0 =	sadd.s32 $0x8F2B, s0  }
0xbd: {  	[sflag:s0] =	ssyncadd.remote.s32 $0x1  }
0xbe: {  	_ =	sfence.sel $0xFFFF  }
0xbf: {  	[dreg:$0x0] =	wrdreg $0xFFFFFFFF;
	(pc) =	sbr.abs _section_cstart, $3  }
0xc0: {  	[dreg:$0x1] =	wrdreg $0xFFFFFFFF  }
0xc1: {  	_ =	task.clear_ibuf [dreg:s7], $0x2FFFF;
	_ =	strace $0x9FFFFFFF  }
0xc2: {  	(tm) =	ssettm $0x7FFFFFFF  }
0xc3: {  	_ =	shalt  }
tec
execute0_lowered:
.L_overlay_start_1:
0x0: {  	(tag) =	ssettag $0x1  }
0x1: {  	s1 =	srdreg.scid;
	s3 =	rddreg [dreg:$0x0]  }
0x2: {  	s0 =	stileid.u32;
	s5 =	rddreg [dreg:$0x1];
	s2 =	simm.s32 $0x0  }
0x3: {  	s4 =	sand.u32 $0x1, s1;
	s28 =	sshll.u32 s0, $0x1;
	s1 =	rddreg [dreg:$0x2]  }
0x4: {  	s10 =	simm.s32 $0x0;
	[smem:$0x7FF] =	sst s2;
	s6 =	sor.u32 s4, s28  }
0x5: {  	s29 =	sshrl.u32 s0, $0x3;
	s8 =	sshll.u32 s0, $0x7;
	s6 =	smul.u32 $0x500, s6  }
0x6: {  	_ =	strace $0x80000047;
	s7 =	ssub.s32 $0x2, s4;
	s4 =	smul.u32 $0x5000, s4  }
0x7: {  	s9 =	sshrl.u32 s7, $0x1;
	s3 =	sadd.s32 s6, s3;
	s6 =	smul.u32 $0x14000, s29  }
0x8: {  	s8 =	sand.u32 $0x380, s8;
	s7 =	ssub.s32 s7, s9;
	s30 =	sadd.s32 s5, s4  }
0x9: {  	s5 =	simm.s32 $0x1;
	s9 =	simm.s32 $0x400;
	s6 =	sor.u32 s8, s6  }
0xa: {  	s4 =	smax.u32 s7, $0x1;
	s3 =	sadd.s32 $0x2E00, s3;
	s31 =	sshrl.u32 s6, $0x3  }
0xb: {  	v0 =	vimm.f32 $0.0e+00;
	v1 =	vimm.f32 $1.000000000e+00;
	s8 =	simm.s32 $0x80;
	s6 =	simm.s32 $0x2800;
	s7 =	sadd.s32 s31, s30  }
.LBB2_1:
0xc: {  	[tilespmem:s2], [sflag:$0x1] =	stream.linear.gather [hbm4b:s3+s2], $0x2780, $0x38;
	[tilespmem:$0x5000] =	vst v63  }
0xd: {  	_ =	swait.ge [sflag:s5], $0x2780  }
0xe: {  	[sflag:s5] =	ssyncset.done $0x0  }
0xf: {  	s11 =	simm.s32 $0x0;
	[sflag:s5] =	ssyncadd.s32 $0xFFFFD880  }
.LBB2_2:
0x10: {  	p0 =	sne.s32 s11, $0x9FC0  }
.Ltmp0:
0x11: {  	_ = 	snop;
	(pc) =	sbr.rel @p0 .LBB2_2-.Ltmp0, $3  }
0x12: {  	_ =	sdelay $0x1  }
0x13: {  	s12 =	sshra.s32 s11, $0x2  }
0x14: {  	s11 =	sadd.s32 $0x40, s11;
	[tilespmem:s12+$0x2800] =	vst v0  }
0x15: {  	s11 =	simm.s32 $0x0  }
0x16: {  	s12 =	sand.u32 $0xFE00, s11  }
0x17: {  	s11 =	sand.u32 $0x70, s11;
	s12 =	sshrl.u32 s12, $0x2  }
0x18: {  	s11 =	sor.u32 s11, s12  }
0x19: {  	v2 =	vld [tilespmem:s11+$0x0];
	_ =	sdelay $0x4  }
0x1a: {  	s13 =	simm.s32 $0x40  }
0x1b: {  	s13 =	sand.u32 $0xFE00, s13;
	s12 =	simm.s32 $0x80;
	s11 =	simm.s32 $0x10  }
.LBB2_4:
0x1c: {  	p0 =	sne.s32 s12, $0x9DC0;
	s14 =	sand.u32 $0x70, s11;
	s13 =	sshrl.u32 s13, $0x2  }
0x1d: {  	s13 =	sor.u32 s14, s13;
	[tilespmem:v2+s6+$0x0] =	vst.idx.add.f32.msk $0xffff, v1  }
0x1e: {  	v2 =	vld [tilespmem:s13+$0x0];
	_ =	sdelay $0x1  }
.Ltmp1:
0x1f: {  	(pc) =	sbr.rel @p0 .LBB2_4-.Ltmp1, $2  }
0x20: {  	_ =	sdelay $0x2  }
0x21: {  	s11 =	sadd.s32 $0x10, s11;
	s13 =	sand.u32 $0xFE00, s12;
	s12 =	sadd.s32 $0x40, s12  }
0x22: {  	_ =	sdelay $0x2  }
0x23: {  	s11 =	sand.u32 $0x70, s11;
	s12 =	sshrl.u32 s13, $0x2  }
0x24: {  	[tilespmem:v2+s6+$0x0] =	vst.idx.add.f32.msk $0xffff, v1;
	s11 =	sor.u32 s11, s12  }
0x25: {  	v2 =	vld [tilespmem:s11+$0x0];
	_ =	sdelay $0x5  }
0x26: {  	s10 =	sadd.s32 $0x1, s10  }
0x27: {  	p0 =	sne.s32 s10, s4  }
.Ltmp2:
0x28: {  	[tilespmem:v2+s6+$0x0] =	vst.idx.add.f32.msk $0xffff, v1;
	(pc) =	sbr.rel @p0 .LBB2_1-.Ltmp2, $4  }
0x29: {  	[hbm4b:s7+s8] =	stream.strided.scatter [tilespmem:s6], [sflag:$0x1], $0x2800, s9, s8, $0x38;
	[tilespmem:$0x5000] =	vst v63  }
0x2a: {  	_ =	swait.ge [sflag:s5], $0x2800  }
0x2b: {  	[sflag:s5] =	ssyncset.done $0x0  }
0x2c: {  	[sflag:s5] =	ssyncadd.s32 $0xFFFFD800  }
0x2d: {  	_ =	sfence.sel $0x180000  }
0x2e: {  	[bflag:$0x0] =	sbarrier.arrive $0xFFFF  }
0x2f: {  	p0 =	sne.s32 s0, $0x0;
	_ =	strace $0x90000047  }
0x30: {  	s0 =	sadd.s32 @!p0 $0x100000, s1;
	[bflag:$0x2] =	sbarrier.arrive $0xFFFF  }
0x31: {  	[sflag:s0] =	ssyncadd.tile.s32 @!p0 $0x1;
	_ =	shalt  }
.Lfunc_end2:
_tile_overlayer_lowered:
.L_overlay_start_2:
0x32: {  	(tag) =	ssettag $0x2  }
0x33: {  	s0 =	rddreg [dreg:$0x0];
	s2 =	stileid.u32  }
0x34: {  	s1 =	rddreg [dreg:$0x1];
	p0 =	sne.s32 s2, $0x0  }
0x35: {  	s3 =	rddreg [dreg:$0x2];
	[bflag:$0x3] =	sbarrier.arrive $0xFFFF;
	s2 =	simm.s32 @!p0 $0x1C01  }
0x36: {  	[timem:s3], [sflag:s2] =	dma.local @!p0 [hbm:s0], s1  }
0x37: {  	s0 =	simm.s32 @!p0 $0x1  }
0x38: {  	_ =	swait.ge @!p0 [sflag:s0], s1  }
0x39: {  	s1 =	ssub.s32 @!p0 $0x0, s1;
	[sflag:s0] =	ssyncset.done @!p0 $0x0  }
0x3a: {  	[sflag:s0] =	ssyncadd.s32 @!p0 s1  }
0x3b: {  	[bflag:$0x3] =	sbarrier.arrive $0xFFFF  }
0x3c: {  	_ =	shalt  }

// kernel: kernel.14.cloned.1.call-start
scs
__scs_entry_jumppad:
0x0: {  	(pc) =	sbr.rel $0x88, $3  }
0x1: {  	(tag) =	ssettag $0x0;
	lr =	simm.s32 $0x1  }
0x2: {  	[smem:$0x3F98] =	sst lr;
	_ =	strace $0xD0000000  }
0x3: {  	_ = 	snop  }
0x4: {  	_ = 	snop  }
0x5: {  	_ = 	snop  }
0x6: {  	_ = 	snop  }
0x7: {  	_ = 	snop  }
__scs_overlays_trampoline_lowered:
0x8: {  	[smem:$0x3FA7] =	sst s0  }
0x9: {  	[smem:$0x3FA8] =	sst s1  }
0xa: {  	[smem:$0x3FA9] =	sst s2  }
0xb: {  	[smem:$0x3FAA] =	sst s3  }
0xc: {  	[smem:$0x3FAB] =	sst s4  }
0xd: {  	[smem:$0x3FAC] =	sst s5  }
0xe: {  	[smem:$0x3FAD] =	sst s6  }
0xf: {  	[smem:$0x3FAE] =	sst s7  }
0x10: {  	[smem:$0x3FAF] =	sst s8  }
0x11: {  	[smem:$0x3FB0] =	sst s9;
	s0 =	simm.s32 @!p0 $0x0  }
0x12: {  	s1 =	sld [smem:$0x3F96];
	s0 =	simm.s32 @p0 $0x1  }
0x13: {  	[smem:$0x3FB1] =	sst s0;
	s0 =	simm.s32 @!p1 $0x0  }
0x14: {  	s2 =	sld [smem:$0x3F95];
	s0 =	simm.s32 @p1 $0x1  }
0x15: {  	[smem:$0x3FB2] =	sst s0;
	s0 =	simm.s32 @!p2 $0x0  }
0x16: {  	s3 =	sld [smem:$0x3FDB];
	s0 =	simm.s32 @p2 $0x1  }
0x17: {  	s4 =	simm.s32 $0x1BF5;
	[smem:$0x3FB4] =	sst s0  }
0x18: {  	s0 =	sld [smem:$0x3F97];
	_ =	swait.ge [sflag:s4], $0x0  }
0x19: {  	s7 =	sld [smem:$0x3F98]  }
0x1a: {  	s8 =	sadd.s32 $0xFFFFE003, lr  }
0x1b: {  	s9 =	sadd.s32 $0xFFFFFEF7, lr;
	s5 =	simm.s32 $0xFFFFFFFF;
	p2 =	slt.u32 s8, $0xFFFFF086  }
0x1c: {  	p1 =	slt.u32 s9, $0xF7A;
	s5 =	simm.s32 @!p2 $0x0  }
0x1d: {  	s5 =	simm.s32 @p1 $0x1;
	p0 =	seq.s32 s7, s2  }
0x1e: {  	s7 =	smul.u32 @!p0 $0xF7A, s2;
	p2 =	seq.s32 @!p0 s5, $0x0  }
0x1f: {  	s9 =	smul.u32 $0xF7A, s1;
	s8 =	simm.s32 @!p0 $0x1BF5;
	p2 =	por !p2, p0  }
0x20: {  	[sflag:s8] =	ssyncset.s32 @!p0 $0xFFFFF086;
	s6 =	sadd.s32 @!p0 s3, s7;
	s7 =	simm.s32 @!p0 $0x108  }
0x21: {  	s3 =	sadd.s32 s3, s9;
	s6 =	sadd.s32 @!p0 $0x88, s6;
	s7 =	simm.s32 @p2 $0x1082  }
0x22: {  	[simem:s7], [sflag:s8] =	dma.local @!p0 [hbm:s6], $0xF7A  }
0x23: {  	s9 =	sor.u32 $0xD0000000, s2;
	s6 =	simm.s32 $0x108;
	_ =	swait.ge @!p0 [sflag:s8], $0x0  }
0x24: {  	s3 =	sadd.s32 $0x88, s3;
	s6 =	simm.s32 @!p1 $0x1082;
	[sflag:s4] =	ssyncset.s32 $0xFFFFF086  }
0x25: {  	[simem:s6], [sflag:s4] =	dma.local [hbm:s3], $0xF7A  }
0x26: {  	[smem:$0x3F98] =	sst s1;
	(tag) =	ssettag s2;
	_ =	strace s9  }
0x27: {  	s1 =	sld [smem:$0x3FA8]  }
0x28: {  	s2 =	sld [smem:$0x3FA9]  }
0x29: {  	s4 =	sld [smem:$0x3FAB]  }
0x2a: {  	p0 =	seq.s32 s5, $0x0;
	s5 =	sld [smem:$0x3FAC]  }
0x2b: {  	s6 =	sld [smem:$0x3FAD]  }
0x2c: {  	s7 =	sld [smem:$0x3FAE]  }
0x2d: {  	s3 =	simm.s32 $0x108;
	s8 =	sld [smem:$0x3FAF]  }
0x2e: {  	s3 =	simm.s32 @!p0 $0x1082;
	s9 =	sld [smem:$0x3FB0]  }
0x2f: {  	lr =	sadd.s32 s0, s3;
	s0 =	sld [smem:$0x3FA7]  }
0x30: {  	s3 =	sld [smem:$0x3FAA]  }
0x31: {  	[smem:$0x3FB3] =	sst s10  }
0x32: {  	s10 =	sld [smem:$0x3FB1];
	_ =	sdelay $0x3  }
0x33: {  	p0 =	seq.s32 s10, $0x1;
	s10 =	sld [smem:$0x3FB3];
	_ =	sdelay $0x3  }
0x34: {  	[smem:$0x3FB3] =	sst s10  }
0x35: {  	s10 =	sld [smem:$0x3FB2];
	_ =	sdelay $0x3  }
0x36: {  	p1 =	seq.s32 s10, $0x1;
	s10 =	sld [smem:$0x3FB3];
	_ =	sdelay $0x3  }
0x37: {  	[smem:$0x3FB3] =	sst s10  }
0x38: {  	s10 =	sld [smem:$0x3FB4]  }
0x39: {  	_ = 	snop;
	(pc) =	sbr.ind lr, $3  }
0x3a: {  	_ = 	snop  }
0x3b: {  	_ = 	snop  }
0x3c: {  	p2 =	seq.s32 s10, $0x1;
	s10 =	sld [smem:$0x3FB3]  }
0x3d: {  	_ =	shalt  }
0x3e: {  	_ =	shalt  }
0x3f: {  	_ =	shalt  }
0x40: {  	_ =	shalt  }
0x41: {  	_ =	shalt  }
0x42: {  	_ =	shalt  }
0x43: {  	_ =	shalt  }
0x44: {  	_ =	shalt  }
0x45: {  	_ =	shalt  }
0x46: {  	_ =	shalt  }
0x47: {  	_ =	shalt  }
0x48: {  	_ =	shalt  }
0x49: {  	_ =	shalt  }
0x4a: {  	_ =	shalt  }
0x4b: {  	_ =	shalt  }
0x4c: {  	_ =	shalt  }
0x4d: {  	_ =	shalt  }
0x4e: {  	_ =	shalt  }
0x4f: {  	_ =	shalt  }
0x50: {  	_ =	shalt  }
0x51: {  	_ =	shalt  }
0x52: {  	_ =	shalt  }
0x53: {  	_ =	shalt  }
0x54: {  	_ =	shalt  }
0x55: {  	_ =	shalt  }
0x56: {  	_ =	shalt  }
0x57: {  	_ =	shalt  }
0x58: {  	_ =	shalt  }
0x59: {  	_ =	shalt  }
0x5a: {  	_ =	shalt  }
0x5b: {  	_ =	shalt  }
0x5c: {  	_ =	shalt  }
0x5d: {  	_ =	shalt  }
0x5e: {  	_ =	shalt  }
0x5f: {  	_ =	shalt  }
0x60: {  	_ =	shalt  }
0x61: {  	_ =	shalt  }
0x62: {  	_ =	shalt  }
0x63: {  	_ =	shalt  }
0x64: {  	_ =	shalt  }
0x65: {  	_ =	shalt  }
0x66: {  	_ =	shalt  }
0x67: {  	_ =	shalt  }
0x68: {  	_ =	shalt  }
0x69: {  	_ =	shalt  }
0x6a: {  	_ =	shalt  }
0x6b: {  	_ =	shalt  }
0x6c: {  	_ =	shalt  }
0x6d: {  	_ =	shalt  }
0x6e: {  	_ =	shalt  }
0x6f: {  	_ =	shalt  }
0x70: {  	_ =	shalt  }
0x71: {  	_ =	shalt  }
0x72: {  	_ =	shalt  }
0x73: {  	_ =	shalt  }
0x74: {  	_ =	shalt  }
0x75: {  	_ =	shalt  }
0x76: {  	_ =	shalt  }
0x77: {  	_ =	shalt  }
0x78: {  	_ =	shalt  }
0x79: {  	_ =	shalt  }
0x7a: {  	_ =	shalt  }
0x7b: {  	_ =	shalt  }
0x7c: {  	_ =	shalt  }
0x7d: {  	_ =	shalt  }
0x7e: {  	_ =	shalt  }
0x7f: {  	_ =	shalt  }
0x80: {  	_ =	shalt  }
0x81: {  	_ =	shalt  }
0x82: {  	_ =	shalt  }
0x83: {  	_ =	shalt  }
0x84: {  	_ =	shalt  }
0x85: {  	_ =	shalt  }
0x86: {  	_ =	shalt  }
0x87: {  	_ =	shalt  }
.Lfunc_end0:
.L_simem_size_0:
called_computation.1_lowered:
.L_overlay_start_0:
0x88: {  	s2 =	sld [smem:$0x3FD9]  }
0x89: {  	s3 =	sld [smem:$0x3FFE];
	_ =	sdelay $0x1  }
0x8a: {  	s1 =	srdreg.scid  }
0x8b: {  	s0 =	sand.u32 $0x1, s1  }
0x8c: {  	s17 =	sshll.u32 s0, $0xA;
	s2 =	sadd.s32 s3, s2  }
0x8d: {  	s2 =	sadd.s32 s2, s17  }
0x8e: {  	[smem:$0x3FBF] =	sst s2  }
0x8f: {  	_ = 	snop  }
0x90: {  	s2 =	sld [smem:$0x3FD0];
	(tm) =	ssettm $0x1  }
0x91: {  	s18 =	sld [smem:$0x3FFB];
	_ =	sdelay $0x3  }
0x92: {  	_ =	strace s18  }
0x93: {  	s3 =	sld [smem:$0x3FFC];
	_ =	sdelay $0x3  }
0x94: {  	_ =	strace s3  }
0x95: {  	s3 =	sld [smem:$0x3FFD];
	_ =	sdelay $0x3  }
0x96: {  	_ =	strace s3  }
0x97: {  	_ =	strace $0x8FFFFFFF  }
0x98: {  	s19 =	sld [smem:$0x3FDB];
	_ =	sdelay $0x1  }
0x99: {  	s4 =	simm.s32 $_scs_section_size  }
0x9a: {  	s5 =	simm.s32 $_size__tile_overlayer_lowered;
	s6 =	simm.s32 $_tile_overlayer_lowered  }
0x9b: {  	s22 =	simm.s32 $0x1BFF;
	s21 =	sshll.u32 s6, $0x1;
	s3 =	sadd.s32 s4, s19  }
0x9c: {  	s7 =	simm.s32 $0x0;
	s20 =	sshll.u32 s5, $0x1;
	s5 =	sadd.s32 s21, s3  }
0x9d: {  	[timem:s7], [sflag:s22] =	dma.local [hbm:s5], s20  }
0x9e: {  	_ =	swait.ge [sflag:s22], s20  }
0x9f: {  	s4 =	ssub.s32 $0x0, s20;
	[sflag:s22] =	ssyncset.done $0x0  }
0xa0: {  	[sflag:s22] =	ssyncadd.s32 s4;
	_ =	sdelay $0x1  }
0xa1: {  	s23 =	simm.s32 $0x1B8B  }
0xa2: {  	_ =	swait.ge [sflag:s23], $0x1  }
0xa3: {  	[sflag:s23] =	ssyncset.done $0x0  }
0xa4: {  	s25 =	simm.s32 $0x1B8E;
	s24 =	sld [smem:$0x3FFE];
	[sflag:s23] =	ssyncadd.s32 $0xFFFFFFFF  }
0xa5: {  	s26 =	simm.s32 $execute0_lowered;
	[smem:$0x3FD2] =	sst s25  }
0xa6: {  	s5 =	sshll.u32 s26, $0x1;
	_ =	strace $0x80000049;
	[dreg:$0x1] =	wrdreg $0xFFFFFFFF  }
0xa7: {  	s28 =	simm.s32 $_size_execute0_lowered;
	s3 =	sadd.s32 s3, s5;
	[dreg:$0x0] =	wrdreg $0x0  }
0xa8: {  	s5 =	sshll.u32 s28, $0x1;
	[dreg:$0x2] =	wrdreg s3  }
0xa9: {  	[dreg:$0x3] =	wrdreg s5  }
0xaa: {  	[dreg:$0x4] =	wrdreg $0xC0  }
0xab: {  	_ =	task [dreg:s7], $0x5FFFF  }
0xac: {  	[dreg:$0x1] =	wrdreg $0xFFFFFFFF  }
0xad: {  	[dreg:$0x0] =	wrdreg $0x60  }
0xae: {  	[dreg:$0x2] =	wrdreg s2  }
0xaf: {  	[dreg:$0x3] =	wrdreg s24  }
0xb0: {  	[dreg:$0x4] =	wrdreg $0x90000  }
0xb1: {  	[dreg:$0x5] =	wrdreg $0x9  }
0xb2: {  	_ =	task.clear_ibuf [dreg:s7], $0x6FFFF;
	_ =	strace $0x90000049  }
0xb3: {  	s29 =	simm.s32 $0x9;
	_ =	strace $0x8000004B  }
0xb4: {  	_ =	swait.ge [sflag:s29], $0x1  }
0xb5: {  	[sflag:s29] =	ssyncadd.s32 $0xFFFFFFFF  }
0xb6: {  	_ =	strace $0x9000004B  }
0xb7: {  	_ =	sfence  }
0xb8: {  	s30 =	sld [smem:$0x0];
	_ =	sdelay $0x2  }
0xb9: {  	s31 =	sshll.u32 s1, $0xD;
	s1 =	sshrl.u32 s1, $0x2  }
0xba: {  	s3 =	sand.u32 $0x4000, s31;
	s1 =	sadd.s32 s1, s30  }
0xbb: {  	s0 =	sor.u32 s3, s0;
	s1 =	sshll.u32 s1, $0x11  }
0xbc: {  	s0 =	sor.u32 s1, s0  }
0xbd: {  	s0 =	sadd.s32 $0x8F2B, s0  }
0xbe: {  	[sflag:s0] =	ssyncadd.remote.s32 $0x1  }
0xbf: {  	_ =	sfence.sel $0xFFFF  }
0xc0: {  	[dreg:$0x0] =	wrdreg $0xFFFFFFFF;
	(pc) =	sbr.abs _section_cstart, $3  }
0xc1: {  	[dreg:$0x1] =	wrdreg $0xFFFFFFFF  }
0xc2: {  	_ =	task.clear_ibuf [dreg:s7], $0x2FFFF;
	_ =	strace $0x9FFFFFFF  }
0xc3: {  	(tm) =	ssettm $0x7FFFFFFF  }
tec
execute0_lowered:
.L_overlay_start_1:
0x0: {  	(tag) =	ssettag $0x1  }
0x1: {  	s1 =	rddreg [dreg:$0x0]  }
0x2: {  	s6 =	rddreg [dreg:$0x1]  }
0x3: {  	s3 =	rddreg [dreg:$0x2]  }
0x4: {  	s0 =	rddreg [dreg:$0x3];
	s5 =	srdreg.scid  }
0x5: {  	s2 =	stileid.u32;
	s4 =	simm.s32 $0x0;
	s14 =	simm.s32 $0x2  }
0x6: {  	s15 =	simm.s32 $0x2800;
	s16 =	simm.s32 $0x80;
	s17 =	simm.s32 $0x1  }
0x7: {  	s21 =	simm.s32 $0x0;
	s5 =	sand.u32 $0x1, s5;
	s8 =	smul.u32 $0x50000, s2  }
0x8: {  	s7 =	sshll.u32 s2, $0x1;
	[smem:$0x7FF] =	sst s4;
	s19 =	smul.u32 $0x2800, s2  }
0x9: {  	s31 =	sshll.u32 s2, $0x6;
	s7 =	sor.u32 s5, s7;
	s9 =	smul.u32 $0x28000, s5  }
0xa: {  	s10 =	ssub.s32 $0x2, s5;
	s7 =	smul.u32 $0x500, s7;
	s29 =	sshrl.u32 s8, $0x2  }
0xb: {  	_ =	strace $0x8000004A;
	s30 =	sshrl.u32 s10, $0x1;
	s5 =	sadd.s32 s29, s3  }
0xc: {  	s12 =	sadd.s32 s9, s6;
	s13 =	ssub.s32 s10, s30;
	s11 =	sadd.s32 s7, s6  }
0xd: {  	s6 =	sadd.s32 $0x4000, s5;
	s7 =	sadd.s32 $0x8000, s5;
	s8 =	sadd.s32 $0xC000, s5  }
0xe: {  	s9 =	sadd.s32 $0x10000, s5;
	s18 =	sadd.s32 $0x16E00, s12;
	s12 =	smax.u32 s13, $0x1  }
0xf: {  	s13 =	simm.s32 $0x5000;
	s20 =	sshrl.u32 s5, $0x3;
	s10 =	sadd.s32 $0xCE00, s11  }
0x10: {  	v0 =	vimm.f32 $0.0e+00;
	s11 =	sadd.s32 $0x2E00, s11;
	s18 =	sadd.s32 s19, s18;
	s19 =	sor.u32 $0x1C02, s31  }
.LBB2_1:
0x11: {  	s22 =	sand.u32 $0xFE00, s4  }
0x12: {  	s23 =	sand.u32 $0x70, s4;
	s24 =	sshrl.u32 s22, $0x2  }
0x13: {  	s22 =	simm.s32 $0x40;
	s24 =	sor.u32 s23, s24;
	s23 =	simm.s32 $0x0  }
.LBB2_2:
0x14: {  	p0 =	sne.s32 s22, $0xFFC0  }
0x15: {  	[tilespmem:s24+$0x5000] =	vst v0;
	s23 =	sadd.s32 $0x10, s23;
	s24 =	smov.u32 s22;
	s22 =	sadd.s32 $0x40, s22  }
.Ltmp0:
0x16: {  	(pc) =	sbr.rel @p0 .LBB2_2-.Ltmp0, $4  }
0x17: {  	_ = 	snop  }
0x18: {  	s24 =	sand.u32 $0xFE00, s24  }
0x19: {  	s25 =	sand.u32 $0x70, s23;
	s24 =	sshrl.u32 s24, $0x2  }
0x1a: {  	s24 =	sor.u32 s25, s24  }
0x1b: {  	[tilespmem:s24+$0x5000] =	vst v0  }
0x1c: {  	[spmem:s5] =	stream.linear.scatter [tilespmem:s13], [sflag:$0x2], $0x4000, $0x38;
	[tilespmem:$0x1D000] =	vst v63  }
0x1d: {  	_ =	swait.ge [sflag:s14], $0x4000  }
0x1e: {  	[sflag:s14] =	ssyncset.done $0x0  }
0x1f: {  	[sflag:s14] =	ssyncadd.s32 $0xFFFFC000  }
0x20: {  	[spmem:s6] =	stream.linear.scatter [tilespmem:s13], [sflag:$0x2], $0x4000, $0x38;
	[tilespmem:$0x1D000] =	vst v63  }
0x21: {  	_ =	swait.ge [sflag:s14], $0x4000  }
0x22: {  	[sflag:s14] =	ssyncset.done $0x0  }
0x23: {  	[sflag:s14] =	ssyncadd.s32 $0xFFFFC000  }
0x24: {  	[spmem:s7] =	stream.linear.scatter [tilespmem:s13], [sflag:$0x2], $0x4000, $0x38;
	[tilespmem:$0x1D000] =	vst v63  }
0x25: {  	_ =	swait.ge [sflag:s14], $0x4000  }
0x26: {  	[sflag:s14] =	ssyncset.done $0x0  }
0x27: {  	[sflag:s14] =	ssyncadd.s32 $0xFFFFC000  }
0x28: {  	[spmem:s8] =	stream.linear.scatter [tilespmem:s13], [sflag:$0x2], $0x4000, $0x38;
	[tilespmem:$0x1D000] =	vst v63  }
0x29: {  	_ =	swait.ge [sflag:s14], $0x4000  }
0x2a: {  	[sflag:s14] =	ssyncset.done $0x0  }
0x2b: {  	[sflag:s14] =	ssyncadd.s32 $0xFFFFC000  }
0x2c: {  	[spmem:s9] =	stream.linear.scatter [tilespmem:s13], [sflag:$0x2], $0x4000, $0x38;
	[tilespmem:$0x1D000] =	vst v63  }
0x2d: {  	_ =	swait.ge [sflag:s14], $0x4000  }
0x2e: {  	[sflag:s14] =	ssyncset.done $0x0  }
0x2f: {  	[sflag:s14] =	ssyncadd.s32 $0xFFFFC000  }
0x30: {  	s22 =	simm.s32 $0x0;
	[bflag:$0x0] =	sbarrier.arrive $0xFFFF  }
0x31: {  	[tilespmem:s22], [sflag:$0x2] =	stream.linear.gather [hbm4b:s10+s22], $0x2780, $0x38;
	[tilespmem:$0x1D000] =	vst v63  }
0x32: {  	_ =	swait.ge [sflag:s14], $0x2780  }
0x33: {  	[sflag:s14] =	ssyncset.done $0x0  }
0x34: {  	[sflag:s14] =	ssyncadd.s32 $0xFFFFD880  }
0x35: {  	[tilespmem:s15], [sflag:$0x2] =	stream.linear.gather [hbm4b:s11+s22], $0x2780, $0x38;
	[tilespmem:$0x1D000] =	vst v63  }
0x36: {  	_ =	swait.ge [sflag:s14], $0x2780  }
0x37: {  	[sflag:s14] =	ssyncset.done $0x0  }
0x38: {  	s30 =	simm.s32 $0x0;
	[sflag:s14] =	ssyncadd.s32 $0xFFFFD880  }
0x39: {  	[tilespmem:s13], [sflag:$0x1] =	stream.indirect.gather [hbm4b:s1+s16], $0x80, s30, s16, $0xb8;
	[tilespmem:$0x1D000] =	vst v63  }
0x3a: {  	_ =	swait.ge [sflag:s17], $0x4000  }
0x3b: {  	[sflag:s17] =	ssyncset.done $0x0  }
0x3c: {  	s31 =	simm.s32 $0x2800;
	[sflag:s17] =	ssyncadd.s32 $0xFFFFC000  }
0x3d: {  	[spmem:s3] =	stream.indirect.scatter.add.f32 [tilespmem:s13], [sflag:$0x2], $0x80, s31, s16, $0xb8;
	[tilespmem:$0x1D000] =	vst v63  }
0x3e: {  	_ =	swait.ge [sflag:s14], $0x4000  }
0x3f: {  	s23 =	simm.s32 $0x400;
	s22 =	simm.s32 $0x200;
	[sflag:s14] =	ssyncset.done $0x0  }
.LBB2_4:
0x40: {  	s24 =	sshra.s32 s22, $0x2  }
0x41: {  	[sflag:s14] =	ssyncadd.s32 $0xFFFFC000;
	s22 =	smov.u32 s23;
	s25 =	sadd.s32 $0x200, s23  }
0x42: {  	[tilespmem:s13], [sflag:$0x1] =	stream.indirect.gather [hbm4b:s1+s16], $0x80, s24, s16, $0xb8;
	[tilespmem:$0x1D000] =	vst v63  }
0x43: {  	p0 =	sne.s32 s23, $0x9C00;
	_ =	swait.ge [sflag:s17], $0x4000  }
.Ltmp1:
0x44: {  	[sflag:s17] =	ssyncset.done $0x0;
	(pc) =	sbr.rel @p0 .LBB2_4-.Ltmp1, $4  }
0x45: {  	s23 =	sadd.s32 $0x2800, s24;
	[sflag:s17] =	ssyncadd.s32 $0xFFFFC000  }
0x46: {  	[spmem:s3] =	stream.indirect.scatter.add.f32 [tilespmem:s13], [sflag:$0x2], $0x80, s23, s16, $0xb8;
	[tilespmem:$0x1D000] =	vst v63  }
0x47: {  	_ =	swait.ge [sflag:s14], $0x4000  }
0x48: {  	s23 =	smov.u32 s25;
	[sflag:s14] =	ssyncset.done $0x0  }
0x49: {  	s22 =	sshra.s32 s22, $0x2;
	[sflag:s14] =	ssyncadd.s32 $0xFFFFC000  }
0x4a: {  	[tilespmem:s13], [sflag:$0x1] =	stream.indirect.gather [hbm4b:s1+s16], $0x80, s22, s16, $0xb8;
	[tilespmem:$0x1D000] =	vst v63  }
0x4b: {  	_ =	swait.ge [sflag:s17], $0x4000  }
0x4c: {  	[sflag:s17] =	ssyncset.done $0x0  }
0x4d: {  	s22 =	sadd.s32 $0x2800, s22;
	[sflag:s17] =	ssyncadd.s32 $0xFFFFC000  }
0x4e: {  	[spmem:s3] =	stream.indirect.scatter.add.f32 [tilespmem:s13], [sflag:$0x2], $0x80, s22, s16, $0xb8;
	[tilespmem:$0x1D000] =	vst v63  }
0x4f: {  	_ =	swait.ge [sflag:s14], $0x4000  }
0x50: {  	s21 =	sadd.s32 $0x1, s21;
	[sflag:s14] =	ssyncset.done $0x0  }
0x51: {  	p0 =	sne.s32 s21, s12;
	[sflag:s14] =	ssyncadd.s32 $0xFFFFC000  }
.Ltmp2:
0x52: {  	[bflag:$0x0] =	sbarrier.arrive $0xFFFF;
	(pc) =	sbr.rel @p0 .LBB2_1-.Ltmp2, $4  }
0x53: {  	[hbm:s18], [sflag:s19] =	dma.local [spmem:s20], $0x2800  }
0x54: {  	_ =	swait.ge [sflag:s14], $0x2800  }
0x55: {  	[sflag:s14] =	ssyncset.done $0x0  }
0x56: {  	[sflag:s14] =	ssyncadd.s32 $0xFFFFD800  }
0x57: {  	_ =	sfence.sel $0x180000  }
0x58: {  	[bflag:$0x0] =	sbarrier.arrive $0xFFFF  }
0x59: {  	p0 =	sne.s32 s2, $0x0;
	_ =	strace $0x9000004A  }
0x5a: {  	s0 =	sadd.s32 @!p0 $0x100000, s0;
	[bflag:$0x2] =	sbarrier.arrive $0xFFFF  }
0x5b: {  	[sflag:s0] =	ssyncadd.tile.s32 @!p0 $0x1;
	_ =	shalt  }
.Lfunc_end2:
_tile_overlayer_lowered:
.L_overlay_start_2:
0x5c: {  	(tag) =	ssettag $0x2  }
0x5d: {  	s0 =	rddreg [dreg:$0x0];
	s2 =	stileid.u32  }
0x5e: {  	s1 =	rddreg [dreg:$0x1];
	p0 =	sne.s32 s2, $0x0  }
0x5f: {  	s3 =	rddreg [dreg:$0x2];
	[bflag:$0x3] =	sbarrier.arrive $0xFFFF;
	s2 =	simm.s32 @!p0 $0x1C02  }
0x60: {  	[timem:s3], [sflag:s2] =	dma.local @!p0 [hbm:s0], s1  }
0x61: {  	s0 =	simm.s32 @!p0 $0x2  }
0x62: {  	_ =	swait.ge @!p0 [sflag:s0], s1  }
0x63: {  	s1 =	ssub.s32 @!p0 $0x0, s1;
	[sflag:s0] =	ssyncset.done @!p0 $0x0  }
0x64: {  	[sflag:s0] =	ssyncadd.s32 @!p0 s1  }
0x65: {  	[bflag:$0x3] =	sbarrier.arrive $0xFFFF  }
0x66: {  	_ =	shalt  }

// kernel: kernel.17.cloned.1.call-start
scs
__scs_entry_jumppad:
0x0: {  	(pc) =	sbr.rel $0x88, $3  }
0x1: {  	(tag) =	ssettag $0x0;
	lr =	simm.s32 $0x1  }
0x2: {  	[smem:$0x3F98] =	sst lr;
	_ =	strace $0xD0000000  }
0x3: {  	_ = 	snop  }
0x4: {  	_ = 	snop  }
0x5: {  	_ = 	snop  }
0x6: {  	_ = 	snop  }
0x7: {  	_ = 	snop  }
__scs_overlays_trampoline_lowered:
0x8: {  	[smem:$0x3FA7] =	sst s0  }
0x9: {  	[smem:$0x3FA8] =	sst s1  }
0xa: {  	[smem:$0x3FA9] =	sst s2  }
0xb: {  	[smem:$0x3FAA] =	sst s3  }
0xc: {  	[smem:$0x3FAB] =	sst s4  }
0xd: {  	[smem:$0x3FAC] =	sst s5  }
0xe: {  	[smem:$0x3FAD] =	sst s6  }
0xf: {  	[smem:$0x3FAE] =	sst s7  }
0x10: {  	[smem:$0x3FAF] =	sst s8  }
0x11: {  	[smem:$0x3FB0] =	sst s9;
	s0 =	simm.s32 @!p0 $0x0  }
0x12: {  	s1 =	sld [smem:$0x3F96];
	s0 =	simm.s32 @p0 $0x1  }
0x13: {  	[smem:$0x3FB1] =	sst s0;
	s0 =	simm.s32 @!p1 $0x0  }
0x14: {  	s2 =	sld [smem:$0x3F95];
	s0 =	simm.s32 @p1 $0x1  }
0x15: {  	[smem:$0x3FB2] =	sst s0;
	s0 =	simm.s32 @!p2 $0x0  }
0x16: {  	s3 =	sld [smem:$0x3FDB];
	s0 =	simm.s32 @p2 $0x1  }
0x17: {  	s4 =	simm.s32 $0x1BF5;
	[smem:$0x3FB4] =	sst s0  }
0x18: {  	s0 =	sld [smem:$0x3F97];
	_ =	swait.ge [sflag:s4], $0x0  }
0x19: {  	s7 =	sld [smem:$0x3F98]  }
0x1a: {  	s8 =	sadd.s32 $0xFFFFE003, lr  }
0x1b: {  	s9 =	sadd.s32 $0xFFFFFEF7, lr;
	s5 =	simm.s32 $0xFFFFFFFF;
	p2 =	slt.u32 s8, $0xFFFFF086  }
0x1c: {  	p1 =	slt.u32 s9, $0xF7A;
	s5 =	simm.s32 @!p2 $0x0  }
0x1d: {  	s5 =	simm.s32 @p1 $0x1;
	p0 =	seq.s32 s7, s2  }
0x1e: {  	s7 =	smul.u32 @!p0 $0xF7A, s2;
	p2 =	seq.s32 @!p0 s5, $0x0  }
0x1f: {  	s9 =	smul.u32 $0xF7A, s1;
	s8 =	simm.s32 @!p0 $0x1BF5;
	p2 =	por !p2, p0  }
0x20: {  	[sflag:s8] =	ssyncset.s32 @!p0 $0xFFFFF086;
	s6 =	sadd.s32 @!p0 s3, s7;
	s7 =	simm.s32 @!p0 $0x108  }
0x21: {  	s3 =	sadd.s32 s3, s9;
	s6 =	sadd.s32 @!p0 $0x88, s6;
	s7 =	simm.s32 @p2 $0x1082  }
0x22: {  	[simem:s7], [sflag:s8] =	dma.local @!p0 [hbm:s6], $0xF7A  }
0x23: {  	s9 =	sor.u32 $0xD0000000, s2;
	s6 =	simm.s32 $0x108;
	_ =	swait.ge @!p0 [sflag:s8], $0x0  }
0x24: {  	s3 =	sadd.s32 $0x88, s3;
	s6 =	simm.s32 @!p1 $0x1082;
	[sflag:s4] =	ssyncset.s32 $0xFFFFF086  }
0x25: {  	[simem:s6], [sflag:s4] =	dma.local [hbm:s3], $0xF7A  }
0x26: {  	[smem:$0x3F98] =	sst s1;
	(tag) =	ssettag s2;
	_ =	strace s9  }
0x27: {  	s1 =	sld [smem:$0x3FA8]  }
0x28: {  	s2 =	sld [smem:$0x3FA9]  }
0x29: {  	s4 =	sld [smem:$0x3FAB]  }
0x2a: {  	p0 =	seq.s32 s5, $0x0;
	s5 =	sld [smem:$0x3FAC]  }
0x2b: {  	s6 =	sld [smem:$0x3FAD]  }
0x2c: {  	s7 =	sld [smem:$0x3FAE]  }
0x2d: {  	s3 =	simm.s32 $0x108;
	s8 =	sld [smem:$0x3FAF]  }
0x2e: {  	s3 =	simm.s32 @!p0 $0x1082;
	s9 =	sld [smem:$0x3FB0]  }
0x2f: {  	lr =	sadd.s32 s0, s3;
	s0 =	sld [smem:$0x3FA7]  }
0x30: {  	s3 =	sld [smem:$0x3FAA]  }
0x31: {  	[smem:$0x3FB3] =	sst s10  }
0x32: {  	s10 =	sld [smem:$0x3FB1];
	_ =	sdelay $0x3  }
0x33: {  	p0 =	seq.s32 s10, $0x1;
	s10 =	sld [smem:$0x3FB3];
	_ =	sdelay $0x3  }
0x34: {  	[smem:$0x3FB3] =	sst s10  }
0x35: {  	s10 =	sld [smem:$0x3FB2];
	_ =	sdelay $0x3  }
0x36: {  	p1 =	seq.s32 s10, $0x1;
	s10 =	sld [smem:$0x3FB3];
	_ =	sdelay $0x3  }
0x37: {  	[smem:$0x3FB3] =	sst s10  }
0x38: {  	s10 =	sld [smem:$0x3FB4]  }
0x39: {  	_ = 	snop;
	(pc) =	sbr.ind lr, $3  }
0x3a: {  	_ = 	snop  }
0x3b: {  	_ = 	snop  }
0x3c: {  	p2 =	seq.s32 s10, $0x1;
	s10 =	sld [smem:$0x3FB3]  }
0x3d: {  	_ =	shalt  }
0x3e: {  	_ =	shalt  }
0x3f: {  	_ =	shalt  }
0x40: {  	_ =	shalt  }
0x41: {  	_ =	shalt  }
0x42: {  	_ =	shalt  }
0x43: {  	_ =	shalt  }
0x44: {  	_ =	shalt  }
0x45: {  	_ =	shalt  }
0x46: {  	_ =	shalt  }
0x47: {  	_ =	shalt  }
0x48: {  	_ =	shalt  }
0x49: {  	_ =	shalt  }
0x4a: {  	_ =	shalt  }
0x4b: {  	_ =	shalt  }
0x4c: {  	_ =	shalt  }
0x4d: {  	_ =	shalt  }
0x4e: {  	_ =	shalt  }
0x4f: {  	_ =	shalt  }
0x50: {  	_ =	shalt  }
0x51: {  	_ =	shalt  }
0x52: {  	_ =	shalt  }
0x53: {  	_ =	shalt  }
0x54: {  	_ =	shalt  }
0x55: {  	_ =	shalt  }
0x56: {  	_ =	shalt  }
0x57: {  	_ =	shalt  }
0x58: {  	_ =	shalt  }
0x59: {  	_ =	shalt  }
0x5a: {  	_ =	shalt  }
0x5b: {  	_ =	shalt  }
0x5c: {  	_ =	shalt  }
0x5d: {  	_ =	shalt  }
0x5e: {  	_ =	shalt  }
0x5f: {  	_ =	shalt  }
0x60: {  	_ =	shalt  }
0x61: {  	_ =	shalt  }
0x62: {  	_ =	shalt  }
0x63: {  	_ =	shalt  }
0x64: {  	_ =	shalt  }
0x65: {  	_ =	shalt  }
0x66: {  	_ =	shalt  }
0x67: {  	_ =	shalt  }
0x68: {  	_ =	shalt  }
0x69: {  	_ =	shalt  }
0x6a: {  	_ =	shalt  }
0x6b: {  	_ =	shalt  }
0x6c: {  	_ =	shalt  }
0x6d: {  	_ =	shalt  }
0x6e: {  	_ =	shalt  }
0x6f: {  	_ =	shalt  }
0x70: {  	_ =	shalt  }
0x71: {  	_ =	shalt  }
0x72: {  	_ =	shalt  }
0x73: {  	_ =	shalt  }
0x74: {  	_ =	shalt  }
0x75: {  	_ =	shalt  }
0x76: {  	_ =	shalt  }
0x77: {  	_ =	shalt  }
0x78: {  	_ =	shalt  }
0x79: {  	_ =	shalt  }
0x7a: {  	_ =	shalt  }
0x7b: {  	_ =	shalt  }
0x7c: {  	_ =	shalt  }
0x7d: {  	_ =	shalt  }
0x7e: {  	_ =	shalt  }
0x7f: {  	_ =	shalt  }
0x80: {  	_ =	shalt  }
0x81: {  	_ =	shalt  }
0x82: {  	_ =	shalt  }
0x83: {  	_ =	shalt  }
0x84: {  	_ =	shalt  }
0x85: {  	_ =	shalt  }
0x86: {  	_ =	shalt  }
0x87: {  	_ =	shalt  }
.Lfunc_end0:
.L_simem_size_0:
called_computation.2_lowered:
.L_overlay_start_0:
0x88: {  	s2 =	sld [smem:$0x3FD9]  }
0x89: {  	s3 =	sld [smem:$0x3FFE];
	_ =	sdelay $0x1  }
0x8a: {  	s1 =	srdreg.scid  }
0x8b: {  	s0 =	sand.u32 $0x1, s1  }
0x8c: {  	s17 =	sshll.u32 s0, $0xA;
	s2 =	sadd.s32 s3, s2  }
0x8d: {  	s2 =	sadd.s32 s2, s17  }
0x8e: {  	[smem:$0x3FBF] =	sst s2  }
0x8f: {  	_ = 	snop  }
0x90: {  	s2 =	sld [smem:$0x3FD0];
	(tm) =	ssettm $0x1  }
0x91: {  	s18 =	sld [smem:$0x3FFB];
	_ =	sdelay $0x3  }
0x92: {  	_ =	strace s18  }
0x93: {  	s3 =	sld [smem:$0x3FFC];
	_ =	sdelay $0x3  }
0x94: {  	_ =	strace s3  }
0x95: {  	s3 =	sld [smem:$0x3FFD];
	_ =	sdelay $0x3  }
0x96: {  	_ =	strace s3  }
0x97: {  	_ =	strace $0x8FFFFFFF  }
0x98: {  	s19 =	sld [smem:$0x3FDB];
	_ =	sdelay $0x1  }
0x99: {  	s4 =	simm.s32 $_scs_section_size  }
0x9a: {  	s5 =	simm.s32 $_size__tile_overlayer_lowered;
	s6 =	simm.s32 $_tile_overlayer_lowered  }
0x9b: {  	s22 =	simm.s32 $0x1BFF;
	s21 =	sshll.u32 s6, $0x1;
	s3 =	sadd.s32 s4, s19  }
0x9c: {  	s7 =	simm.s32 $0x0;
	s20 =	sshll.u32 s5, $0x1;
	s5 =	sadd.s32 s21, s3  }
0x9d: {  	[timem:s7], [sflag:s22] =	dma.local [hbm:s5], s20  }
0x9e: {  	_ =	swait.ge [sflag:s22], s20  }
0x9f: {  	s4 =	ssub.s32 $0x0, s20;
	[sflag:s22] =	ssyncset.done $0x0  }
0xa0: {  	[sflag:s22] =	ssyncadd.s32 s4;
	_ =	sdelay $0x1  }
0xa1: {  	s23 =	simm.s32 $0x1B8B  }
0xa2: {  	_ =	swait.ge [sflag:s23], $0x1  }
0xa3: {  	[sflag:s23] =	ssyncset.done $0x0  }
0xa4: {  	s25 =	simm.s32 $0x1B8E;
	s24 =	sld [smem:$0x3FFE];
	[sflag:s23] =	ssyncadd.s32 $0xFFFFFFFF  }
0xa5: {  	s26 =	simm.s32 $execute0_lowered;
	[smem:$0x3FD2] =	sst s25  }
0xa6: {  	s5 =	sshll.u32 s26, $0x1;
	_ =	strace $0x8000004C;
	[dreg:$0x1] =	wrdreg $0xFFFFFFFF  }
0xa7: {  	s28 =	simm.s32 $_size_execute0_lowered;
	s3 =	sadd.s32 s3, s5;
	[dreg:$0x0] =	wrdreg $0x0  }
0xa8: {  	s5 =	sshll.u32 s28, $0x1;
	[dreg:$0x2] =	wrdreg s3  }
0xa9: {  	[dreg:$0x3] =	wrdreg s5  }
0xaa: {  	[dreg:$0x4] =	wrdreg $0xC0  }
0xab: {  	_ =	task [dreg:s7], $0x5FFFF  }
0xac: {  	[dreg:$0x1] =	wrdreg $0xFFFFFFFF  }
0xad: {  	[dreg:$0x0] =	wrdreg $0x60  }
0xae: {  	[dreg:$0x2] =	wrdreg s2  }
0xaf: {  	[dreg:$0x3] =	wrdreg s24  }
0xb0: {  	[dreg:$0x4] =	wrdreg $0x90000  }
0xb1: {  	[dreg:$0x5] =	wrdreg $0x9  }
0xb2: {  	_ =	task.clear_ibuf [dreg:s7], $0x6FFFF;
	_ =	strace $0x9000004C  }
0xb3: {  	s29 =	simm.s32 $0x9;
	_ =	strace $0x8000004E  }
0xb4: {  	_ =	swait.ge [sflag:s29], $0x1  }
0xb5: {  	[sflag:s29] =	ssyncadd.s32 $0xFFFFFFFF  }
0xb6: {  	_ =	strace $0x9000004E  }
0xb7: {  	_ =	sfence  }
0xb8: {  	s30 =	sld [smem:$0x0];
	_ =	sdelay $0x2  }
0xb9: {  	s31 =	sshll.u32 s1, $0xD;
	s1 =	sshrl.u32 s1, $0x2  }
0xba: {  	s3 =	sand.u32 $0x4000, s31;
	s1 =	sadd.s32 s1, s30  }
0xbb: {  	s0 =	sor.u32 s3, s0;
	s1 =	sshll.u32 s1, $0x11  }
0xbc: {  	s0 =	sor.u32 s1, s0  }
0xbd: {  	s0 =	sadd.s32 $0x8F2B, s0  }
0xbe: {  	[sflag:s0] =	ssyncadd.remote.s32 $0x1  }
0xbf: {  	_ =	sfence.sel $0xFFFF  }
0xc0: {  	[dreg:$0x0] =	wrdreg $0xFFFFFFFF;
	(pc) =	sbr.abs _section_cstart, $3  }
0xc1: {  	[dreg:$0x1] =	wrdreg $0xFFFFFFFF  }
0xc2: {  	_ =	task.clear_ibuf [dreg:s7], $0x2FFFF;
	_ =	strace $0x9FFFFFFF  }
0xc3: {  	(tm) =	ssettm $0x7FFFFFFF  }
tec
execute0_lowered:
.L_overlay_start_1:
0x0: {  	(tag) =	ssettag $0x1  }
0x1: {  	s1 =	rddreg [dreg:$0x0]  }
0x2: {  	s6 =	rddreg [dreg:$0x1]  }
0x3: {  	s3 =	rddreg [dreg:$0x2]  }
0x4: {  	s0 =	rddreg [dreg:$0x3];
	s5 =	srdreg.scid  }
0x5: {  	s2 =	stileid.u32;
	s4 =	simm.s32 $0x0;
	s14 =	simm.s32 $0x2  }
0x6: {  	s15 =	simm.s32 $0x2800;
	s16 =	simm.s32 $0x80;
	s17 =	simm.s32 $0x1  }
0x7: {  	s21 =	simm.s32 $0x0;
	s5 =	sand.u32 $0x1, s5;
	s8 =	smul.u32 $0x50000, s2  }
0x8: {  	s7 =	sshll.u32 s2, $0x1;
	[smem:$0x7FF] =	sst s4;
	s19 =	smul.u32 $0x2800, s2  }
0x9: {  	s31 =	sshll.u32 s2, $0x6;
	s7 =	sor.u32 s5, s7;
	s9 =	smul.u32 $0x28000, s5  }
0xa: {  	s10 =	ssub.s32 $0x2, s5;
	s7 =	smul.u32 $0x500, s7;
	s29 =	sshrl.u32 s8, $0x2  }
0xb: {  	_ =	strace $0x8000004D;
	s30 =	sshrl.u32 s10, $0x1;
	s5 =	sadd.s32 s29, s3  }
0xc: {  	s12 =	sadd.s32 s9, s6;
	s13 =	ssub.s32 s10, s30;
	s11 =	sadd.s32 s7, s6  }
0xd: {  	s6 =	sadd.s32 $0x4000, s5;
	s7 =	sadd.s32 $0x8000, s5;
	s8 =	sadd.s32 $0xC000, s5  }
0xe: {  	s9 =	sadd.s32 $0x10000, s5;
	s18 =	sadd.s32 $0x16E00, s12;
	s12 =	smax.u32 s13, $0x1  }
0xf: {  	s13 =	simm.s32 $0x5000;
	s20 =	sshrl.u32 s5, $0x3;
	s10 =	sadd.s32 $0xCE00, s11  }
0x10: {  	v0 =	vimm.f32 $0.0e+00;
	s11 =	sadd.s32 $0x2E00, s11;
	s18 =	sadd.s32 s19, s18;
	s19 =	sor.u32 $0x1C02, s31  }
.LBB2_1:
0x11: {  	s22 =	sand.u32 $0xFE00, s4  }
0x12: {  	s23 =	sand.u32 $0x70, s4;
	s24 =	sshrl.u32 s22, $0x2  }
0x13: {  	s22 =	simm.s32 $0x40;
	s24 =	sor.u32 s23, s24;
	s23 =	simm.s32 $0x0  }
.LBB2_2:
0x14: {  	p0 =	sne.s32 s22, $0xFFC0  }
0x15: {  	[tilespmem:s24+$0x5000] =	vst v0;
	s23 =	sadd.s32 $0x10, s23;
	s24 =	smov.u32 s22;
	s22 =	sadd.s32 $0x40, s22  }
.Ltmp0:
0x16: {  	(pc) =	sbr.rel @p0 .LBB2_2-.Ltmp0, $4  }
0x17: {  	_ = 	snop  }
0x18: {  	s24 =	sand.u32 $0xFE00, s24  }
0x19: {  	s25 =	sand.u32 $0x70, s23;
	s24 =	sshrl.u32 s24, $0x2  }
0x1a: {  	s24 =	sor.u32 s25, s24  }
0x1b: {  	[tilespmem:s24+$0x5000] =	vst v0  }
0x1c: {  	[spmem:s5] =	stream.linear.scatter [tilespmem:s13], [sflag:$0x2], $0x4000, $0x38;
	[tilespmem:$0x1D000] =	vst v63  }
0x1d: {  	_ =	swait.ge [sflag:s14], $0x4000  }
0x1e: {  	[sflag:s14] =	ssyncset.done $0x0  }
0x1f: {  	[sflag:s14] =	ssyncadd.s32 $0xFFFFC000  }
0x20: {  	[spmem:s6] =	stream.linear.scatter [tilespmem:s13], [sflag:$0x2], $0x4000, $0x38;
	[tilespmem:$0x1D000] =	vst v63  }
0x21: {  	_ =	swait.ge [sflag:s14], $0x4000  }
0x22: {  	[sflag:s14] =	ssyncset.done $0x0  }
0x23: {  	[sflag:s14] =	ssyncadd.s32 $0xFFFFC000  }
0x24: {  	[spmem:s7] =	stream.linear.scatter [tilespmem:s13], [sflag:$0x2], $0x4000, $0x38;
	[tilespmem:$0x1D000] =	vst v63  }
0x25: {  	_ =	swait.ge [sflag:s14], $0x4000  }
0x26: {  	[sflag:s14] =	ssyncset.done $0x0  }
0x27: {  	[sflag:s14] =	ssyncadd.s32 $0xFFFFC000  }
0x28: {  	[spmem:s8] =	stream.linear.scatter [tilespmem:s13], [sflag:$0x2], $0x4000, $0x38;
	[tilespmem:$0x1D000] =	vst v63  }
0x29: {  	_ =	swait.ge [sflag:s14], $0x4000  }
0x2a: {  	[sflag:s14] =	ssyncset.done $0x0  }
0x2b: {  	[sflag:s14] =	ssyncadd.s32 $0xFFFFC000  }
0x2c: {  	[spmem:s9] =	stream.linear.scatter [tilespmem:s13], [sflag:$0x2], $0x4000, $0x38;
	[tilespmem:$0x1D000] =	vst v63  }
0x2d: {  	_ =	swait.ge [sflag:s14], $0x4000  }
0x2e: {  	[sflag:s14] =	ssyncset.done $0x0  }
0x2f: {  	[sflag:s14] =	ssyncadd.s32 $0xFFFFC000  }
0x30: {  	s22 =	simm.s32 $0x0;
	[bflag:$0x0] =	sbarrier.arrive $0xFFFF  }
0x31: {  	[tilespmem:s22], [sflag:$0x2] =	stream.linear.gather [hbm4b:s10+s22], $0x2780, $0x38;
	[tilespmem:$0x1D000] =	vst v63  }
0x32: {  	_ =	swait.ge [sflag:s14], $0x2780  }
0x33: {  	[sflag:s14] =	ssyncset.done $0x0  }
0x34: {  	[sflag:s14] =	ssyncadd.s32 $0xFFFFD880  }
0x35: {  	[tilespmem:s15], [sflag:$0x2] =	stream.linear.gather [hbm4b:s11+s22], $0x2780, $0x38;
	[tilespmem:$0x1D000] =	vst v63  }
0x36: {  	_ =	swait.ge [sflag:s14], $0x2780  }
0x37: {  	[sflag:s14] =	ssyncset.done $0x0  }
0x38: {  	s30 =	simm.s32 $0x0;
	[sflag:s14] =	ssyncadd.s32 $0xFFFFD880  }
0x39: {  	[tilespmem:s13], [sflag:$0x1] =	stream.indirect.gather [hbm4b:s1+s16], $0x80, s30, s16, $0xb8;
	[tilespmem:$0x1D000] =	vst v63  }
0x3a: {  	_ =	swait.ge [sflag:s17], $0x4000  }
0x3b: {  	[sflag:s17] =	ssyncset.done $0x0  }
0x3c: {  	s31 =	simm.s32 $0x2800;
	[sflag:s17] =	ssyncadd.s32 $0xFFFFC000  }
0x3d: {  	[spmem:s3] =	stream.indirect.scatter.add.f32 [tilespmem:s13], [sflag:$0x2], $0x80, s31, s16, $0xb8;
	[tilespmem:$0x1D000] =	vst v63  }
0x3e: {  	_ =	swait.ge [sflag:s14], $0x4000  }
0x3f: {  	s23 =	simm.s32 $0x400;
	s22 =	simm.s32 $0x200;
	[sflag:s14] =	ssyncset.done $0x0  }
.LBB2_4:
0x40: {  	s24 =	sshra.s32 s22, $0x2  }
0x41: {  	[sflag:s14] =	ssyncadd.s32 $0xFFFFC000;
	s22 =	smov.u32 s23;
	s25 =	sadd.s32 $0x200, s23  }
0x42: {  	[tilespmem:s13], [sflag:$0x1] =	stream.indirect.gather [hbm4b:s1+s16], $0x80, s24, s16, $0xb8;
	[tilespmem:$0x1D000] =	vst v63  }
0x43: {  	p0 =	sne.s32 s23, $0x9C00;
	_ =	swait.ge [sflag:s17], $0x4000  }
.Ltmp1:
0x44: {  	[sflag:s17] =	ssyncset.done $0x0;
	(pc) =	sbr.rel @p0 .LBB2_4-.Ltmp1, $4  }
0x45: {  	s23 =	sadd.s32 $0x2800, s24;
	[sflag:s17] =	ssyncadd.s32 $0xFFFFC000  }
0x46: {  	[spmem:s3] =	stream.indirect.scatter.add.f32 [tilespmem:s13], [sflag:$0x2], $0x80, s23, s16, $0xb8;
	[tilespmem:$0x1D000] =	vst v63  }
0x47: {  	_ =	swait.ge [sflag:s14], $0x4000  }
0x48: {  	s23 =	smov.u32 s25;
	[sflag:s14] =	ssyncset.done $0x0  }
0x49: {  	s22 =	sshra.s32 s22, $0x2;
	[sflag:s14] =	ssyncadd.s32 $0xFFFFC000  }
0x4a: {  	[tilespmem:s13], [sflag:$0x1] =	stream.indirect.gather [hbm4b:s1+s16], $0x80, s22, s16, $0xb8;
	[tilespmem:$0x1D000] =	vst v63  }
0x4b: {  	_ =	swait.ge [sflag:s17], $0x4000  }
0x4c: {  	[sflag:s17] =	ssyncset.done $0x0  }
0x4d: {  	s22 =	sadd.s32 $0x2800, s22;
	[sflag:s17] =	ssyncadd.s32 $0xFFFFC000  }
0x4e: {  	[spmem:s3] =	stream.indirect.scatter.add.f32 [tilespmem:s13], [sflag:$0x2], $0x80, s22, s16, $0xb8;
	[tilespmem:$0x1D000] =	vst v63  }
0x4f: {  	_ =	swait.ge [sflag:s14], $0x4000  }
0x50: {  	s21 =	sadd.s32 $0x1, s21;
	[sflag:s14] =	ssyncset.done $0x0  }
0x51: {  	p0 =	sne.s32 s21, s12;
	[sflag:s14] =	ssyncadd.s32 $0xFFFFC000  }
.Ltmp2:
0x52: {  	[bflag:$0x0] =	sbarrier.arrive $0xFFFF;
	(pc) =	sbr.rel @p0 .LBB2_1-.Ltmp2, $4  }
0x53: {  	[hbm:s18], [sflag:s19] =	dma.local [spmem:s20], $0x2800  }
0x54: {  	_ =	swait.ge [sflag:s14], $0x2800  }
0x55: {  	[sflag:s14] =	ssyncset.done $0x0  }
0x56: {  	[sflag:s14] =	ssyncadd.s32 $0xFFFFD800  }
0x57: {  	_ =	sfence.sel $0x180000  }
0x58: {  	[bflag:$0x0] =	sbarrier.arrive $0xFFFF  }
0x59: {  	p0 =	sne.s32 s2, $0x0;
	_ =	strace $0x9000004D  }
0x5a: {  	s0 =	sadd.s32 @!p0 $0x100000, s0;
	[bflag:$0x2] =	sbarrier.arrive $0xFFFF  }
0x5b: {  	[sflag:s0] =	ssyncadd.tile.s32 @!p0 $0x1;
	_ =	shalt  }
.Lfunc_end2:
_tile_overlayer_lowered:
.L_overlay_start_2:
0x5c: {  	(tag) =	ssettag $0x2  }
0x5d: {  	s0 =	rddreg [dreg:$0x0];
	s2 =	stileid.u32  }
0x5e: {  	s1 =	rddreg [dreg:$0x1];
	p0 =	sne.s32 s2, $0x0  }
0x5f: {  	s3 =	rddreg [dreg:$0x2];
	[bflag:$0x3] =	sbarrier.arrive $0xFFFF;
	s2 =	simm.s32 @!p0 $0x1C02  }
0x60: {  	[timem:s3], [sflag:s2] =	dma.local @!p0 [hbm:s0], s1  }
0x61: {  	s0 =	simm.s32 @!p0 $0x2  }
0x62: {  	_ =	swait.ge @!p0 [sflag:s0], s1  }
0x63: {  	s1 =	ssub.s32 @!p0 $0x0, s1;
	[sflag:s0] =	ssyncset.done @!p0 $0x0  }
0x64: {  	[sflag:s0] =	ssyncadd.s32 @!p0 s1  }
0x65: {  	[bflag:$0x3] =	sbarrier.arrive $0xFFFF  }
0x66: {  	_ =	shalt  }

// kernel: kernel.20.cloned.1.call-start
scs
__scs_entry_jumppad:
0x0: {  	(pc) =	sbr.rel $0x88, $3  }
0x1: {  	(tag) =	ssettag $0x0;
	lr =	simm.s32 $0x1  }
0x2: {  	[smem:$0x3F98] =	sst lr;
	_ =	strace $0xD0000000  }
0x3: {  	_ = 	snop  }
0x4: {  	_ = 	snop  }
0x5: {  	_ = 	snop  }
0x6: {  	_ = 	snop  }
0x7: {  	_ = 	snop  }
__scs_overlays_trampoline_lowered:
0x8: {  	[smem:$0x3FA7] =	sst s0  }
0x9: {  	[smem:$0x3FA8] =	sst s1  }
0xa: {  	[smem:$0x3FA9] =	sst s2  }
0xb: {  	[smem:$0x3FAA] =	sst s3  }
0xc: {  	[smem:$0x3FAB] =	sst s4  }
0xd: {  	[smem:$0x3FAC] =	sst s5  }
0xe: {  	[smem:$0x3FAD] =	sst s6  }
0xf: {  	[smem:$0x3FAE] =	sst s7  }
0x10: {  	[smem:$0x3FAF] =	sst s8  }
0x11: {  	[smem:$0x3FB0] =	sst s9;
	s0 =	simm.s32 @!p0 $0x0  }
0x12: {  	s1 =	sld [smem:$0x3F96];
	s0 =	simm.s32 @p0 $0x1  }
0x13: {  	[smem:$0x3FB1] =	sst s0;
	s0 =	simm.s32 @!p1 $0x0  }
0x14: {  	s2 =	sld [smem:$0x3F95];
	s0 =	simm.s32 @p1 $0x1  }
0x15: {  	[smem:$0x3FB2] =	sst s0;
	s0 =	simm.s32 @!p2 $0x0  }
0x16: {  	s3 =	sld [smem:$0x3FDB];
	s0 =	simm.s32 @p2 $0x1  }
0x17: {  	s4 =	simm.s32 $0x1BF5;
	[smem:$0x3FB4] =	sst s0  }
0x18: {  	s0 =	sld [smem:$0x3F97];
	_ =	swait.ge [sflag:s4], $0x0  }
0x19: {  	s7 =	sld [smem:$0x3F98]  }
0x1a: {  	s8 =	sadd.s32 $0xFFFFE003, lr  }
0x1b: {  	s9 =	sadd.s32 $0xFFFFFEF7, lr;
	s5 =	simm.s32 $0xFFFFFFFF;
	p2 =	slt.u32 s8, $0xFFFFF086  }
0x1c: {  	p1 =	slt.u32 s9, $0xF7A;
	s5 =	simm.s32 @!p2 $0x0  }
0x1d: {  	s5 =	simm.s32 @p1 $0x1;
	p0 =	seq.s32 s7, s2  }
0x1e: {  	s7 =	smul.u32 @!p0 $0xF7A, s2;
	p2 =	seq.s32 @!p0 s5, $0x0  }
0x1f: {  	s9 =	smul.u32 $0xF7A, s1;
	s8 =	simm.s32 @!p0 $0x1BF5;
	p2 =	por !p2, p0  }
0x20: {  	[sflag:s8] =	ssyncset.s32 @!p0 $0xFFFFF086;
	s6 =	sadd.s32 @!p0 s3, s7;
	s7 =	simm.s32 @!p0 $0x108  }
0x21: {  	s3 =	sadd.s32 s3, s9;
	s6 =	sadd.s32 @!p0 $0x88, s6;
	s7 =	simm.s32 @p2 $0x1082  }
0x22: {  	[simem:s7], [sflag:s8] =	dma.local @!p0 [hbm:s6], $0xF7A  }
0x23: {  	s9 =	sor.u32 $0xD0000000, s2;
	s6 =	simm.s32 $0x108;
	_ =	swait.ge @!p0 [sflag:s8], $0x0  }
0x24: {  	s3 =	sadd.s32 $0x88, s3;
	s6 =	simm.s32 @!p1 $0x1082;
	[sflag:s4] =	ssyncset.s32 $0xFFFFF086  }
0x25: {  	[simem:s6], [sflag:s4] =	dma.local [hbm:s3], $0xF7A  }
0x26: {  	[smem:$0x3F98] =	sst s1;
	(tag) =	ssettag s2;
	_ =	strace s9  }
0x27: {  	s1 =	sld [smem:$0x3FA8]  }
0x28: {  	s2 =	sld [smem:$0x3FA9]  }
0x29: {  	s4 =	sld [smem:$0x3FAB]  }
0x2a: {  	p0 =	seq.s32 s5, $0x0;
	s5 =	sld [smem:$0x3FAC]  }
0x2b: {  	s6 =	sld [smem:$0x3FAD]  }
0x2c: {  	s7 =	sld [smem:$0x3FAE]  }
0x2d: {  	s3 =	simm.s32 $0x108;
	s8 =	sld [smem:$0x3FAF]  }
0x2e: {  	s3 =	simm.s32 @!p0 $0x1082;
	s9 =	sld [smem:$0x3FB0]  }
0x2f: {  	lr =	sadd.s32 s0, s3;
	s0 =	sld [smem:$0x3FA7]  }
0x30: {  	s3 =	sld [smem:$0x3FAA]  }
0x31: {  	[smem:$0x3FB3] =	sst s10  }
0x32: {  	s10 =	sld [smem:$0x3FB1];
	_ =	sdelay $0x3  }
0x33: {  	p0 =	seq.s32 s10, $0x1;
	s10 =	sld [smem:$0x3FB3];
	_ =	sdelay $0x3  }
0x34: {  	[smem:$0x3FB3] =	sst s10  }
0x35: {  	s10 =	sld [smem:$0x3FB2];
	_ =	sdelay $0x3  }
0x36: {  	p1 =	seq.s32 s10, $0x1;
	s10 =	sld [smem:$0x3FB3];
	_ =	sdelay $0x3  }
0x37: {  	[smem:$0x3FB3] =	sst s10  }
0x38: {  	s10 =	sld [smem:$0x3FB4]  }
0x39: {  	_ = 	snop;
	(pc) =	sbr.ind lr, $3  }
0x3a: {  	_ = 	snop  }
0x3b: {  	_ = 	snop  }
0x3c: {  	p2 =	seq.s32 s10, $0x1;
	s10 =	sld [smem:$0x3FB3]  }
0x3d: {  	_ =	shalt  }
0x3e: {  	_ =	shalt  }
0x3f: {  	_ =	shalt  }
0x40: {  	_ =	shalt  }
0x41: {  	_ =	shalt  }
0x42: {  	_ =	shalt  }
0x43: {  	_ =	shalt  }
0x44: {  	_ =	shalt  }
0x45: {  	_ =	shalt  }
0x46: {  	_ =	shalt  }
0x47: {  	_ =	shalt  }
0x48: {  	_ =	shalt  }
0x49: {  	_ =	shalt  }
0x4a: {  	_ =	shalt  }
0x4b: {  	_ =	shalt  }
0x4c: {  	_ =	shalt  }
0x4d: {  	_ =	shalt  }
0x4e: {  	_ =	shalt  }
0x4f: {  	_ =	shalt  }
0x50: {  	_ =	shalt  }
0x51: {  	_ =	shalt  }
0x52: {  	_ =	shalt  }
0x53: {  	_ =	shalt  }
0x54: {  	_ =	shalt  }
0x55: {  	_ =	shalt  }
0x56: {  	_ =	shalt  }
0x57: {  	_ =	shalt  }
0x58: {  	_ =	shalt  }
0x59: {  	_ =	shalt  }
0x5a: {  	_ =	shalt  }
0x5b: {  	_ =	shalt  }
0x5c: {  	_ =	shalt  }
0x5d: {  	_ =	shalt  }
0x5e: {  	_ =	shalt  }
0x5f: {  	_ =	shalt  }
0x60: {  	_ =	shalt  }
0x61: {  	_ =	shalt  }
0x62: {  	_ =	shalt  }
0x63: {  	_ =	shalt  }
0x64: {  	_ =	shalt  }
0x65: {  	_ =	shalt  }
0x66: {  	_ =	shalt  }
0x67: {  	_ =	shalt  }
0x68: {  	_ =	shalt  }
0x69: {  	_ =	shalt  }
0x6a: {  	_ =	shalt  }
0x6b: {  	_ =	shalt  }
0x6c: {  	_ =	shalt  }
0x6d: {  	_ =	shalt  }
0x6e: {  	_ =	shalt  }
0x6f: {  	_ =	shalt  }
0x70: {  	_ =	shalt  }
0x71: {  	_ =	shalt  }
0x72: {  	_ =	shalt  }
0x73: {  	_ =	shalt  }
0x74: {  	_ =	shalt  }
0x75: {  	_ =	shalt  }
0x76: {  	_ =	shalt  }
0x77: {  	_ =	shalt  }
0x78: {  	_ =	shalt  }
0x79: {  	_ =	shalt  }
0x7a: {  	_ =	shalt  }
0x7b: {  	_ =	shalt  }
0x7c: {  	_ =	shalt  }
0x7d: {  	_ =	shalt  }
0x7e: {  	_ =	shalt  }
0x7f: {  	_ =	shalt  }
0x80: {  	_ =	shalt  }
0x81: {  	_ =	shalt  }
0x82: {  	_ =	shalt  }
0x83: {  	_ =	shalt  }
0x84: {  	_ =	shalt  }
0x85: {  	_ =	shalt  }
0x86: {  	_ =	shalt  }
0x87: {  	_ =	shalt  }
.Lfunc_end0:
.L_simem_size_0:
called_computation.3_lowered:
.L_overlay_start_0:
0x88: {  	s2 =	sld [smem:$0x3FD9]  }
0x89: {  	s3 =	sld [smem:$0x3FFE];
	_ =	sdelay $0x1  }
0x8a: {  	s1 =	srdreg.scid  }
0x8b: {  	s0 =	sand.u32 $0x1, s1  }
0x8c: {  	s17 =	sshll.u32 s0, $0xA;
	s2 =	sadd.s32 s3, s2  }
0x8d: {  	s2 =	sadd.s32 s2, s17  }
0x8e: {  	[smem:$0x3FBF] =	sst s2  }
0x8f: {  	_ = 	snop  }
0x90: {  	s2 =	sld [smem:$0x3FD0];
	(tm) =	ssettm $0x1  }
0x91: {  	s18 =	sld [smem:$0x3FFB];
	_ =	sdelay $0x3  }
0x92: {  	_ =	strace s18  }
0x93: {  	s3 =	sld [smem:$0x3FFC];
	_ =	sdelay $0x3  }
0x94: {  	_ =	strace s3  }
0x95: {  	s3 =	sld [smem:$0x3FFD];
	_ =	sdelay $0x3  }
0x96: {  	_ =	strace s3  }
0x97: {  	_ =	strace $0x8FFFFFFF  }
0x98: {  	s19 =	sld [smem:$0x3FDB];
	_ =	sdelay $0x1  }
0x99: {  	s4 =	simm.s32 $_scs_section_size  }
0x9a: {  	s5 =	simm.s32 $_size__tile_overlayer_lowered;
	s6 =	simm.s32 $_tile_overlayer_lowered  }
0x9b: {  	s22 =	simm.s32 $0x1BFF;
	s21 =	sshll.u32 s6, $0x1;
	s3 =	sadd.s32 s4, s19  }
0x9c: {  	s7 =	simm.s32 $0x0;
	s20 =	sshll.u32 s5, $0x1;
	s5 =	sadd.s32 s21, s3  }
0x9d: {  	[timem:s7], [sflag:s22] =	dma.local [hbm:s5], s20  }
0x9e: {  	_ =	swait.ge [sflag:s22], s20  }
0x9f: {  	s4 =	ssub.s32 $0x0, s20;
	[sflag:s22] =	ssyncset.done $0x0  }
0xa0: {  	[sflag:s22] =	ssyncadd.s32 s4;
	_ =	sdelay $0x1  }
0xa1: {  	s23 =	simm.s32 $0x1B8B  }
0xa2: {  	_ =	swait.ge [sflag:s23], $0x1  }
0xa3: {  	[sflag:s23] =	ssyncset.done $0x0  }
0xa4: {  	s25 =	simm.s32 $0x1B8E;
	s24 =	sld [smem:$0x3FFE];
	[sflag:s23] =	ssyncadd.s32 $0xFFFFFFFF  }
0xa5: {  	s26 =	simm.s32 $execute0_lowered;
	[smem:$0x3FD2] =	sst s25  }
0xa6: {  	s5 =	sshll.u32 s26, $0x1;
	_ =	strace $0x8000004F;
	[dreg:$0x1] =	wrdreg $0xFFFFFFFF  }
0xa7: {  	s28 =	simm.s32 $_size_execute0_lowered;
	s3 =	sadd.s32 s3, s5;
	[dreg:$0x0] =	wrdreg $0x0  }
0xa8: {  	s5 =	sshll.u32 s28, $0x1;
	[dreg:$0x2] =	wrdreg s3  }
0xa9: {  	[dreg:$0x3] =	wrdreg s5  }
0xaa: {  	[dreg:$0x4] =	wrdreg $0xC0  }
0xab: {  	_ =	task [dreg:s7], $0x5FFFF  }
0xac: {  	[dreg:$0x1] =	wrdreg $0xFFFFFFFF  }
0xad: {  	[dreg:$0x0] =	wrdreg $0x60  }
0xae: {  	[dreg:$0x2] =	wrdreg s2  }
0xaf: {  	[dreg:$0x3] =	wrdreg s24  }
0xb0: {  	[dreg:$0x4] =	wrdreg $0x90000  }
0xb1: {  	[dreg:$0x5] =	wrdreg $0x9  }
0xb2: {  	_ =	task.clear_ibuf [dreg:s7], $0x6FFFF;
	_ =	strace $0x9000004F  }
0xb3: {  	s29 =	simm.s32 $0x9;
	_ =	strace $0x80000051  }
0xb4: {  	_ =	swait.ge [sflag:s29], $0x1  }
0xb5: {  	[sflag:s29] =	ssyncadd.s32 $0xFFFFFFFF  }
0xb6: {  	_ =	strace $0x90000051  }
0xb7: {  	_ =	sfence  }
0xb8: {  	s30 =	sld [smem:$0x0];
	_ =	sdelay $0x2  }
0xb9: {  	s31 =	sshll.u32 s1, $0xD;
	s1 =	sshrl.u32 s1, $0x2  }
0xba: {  	s3 =	sand.u32 $0x4000, s31;
	s1 =	sadd.s32 s1, s30  }
0xbb: {  	s0 =	sor.u32 s3, s0;
	s1 =	sshll.u32 s1, $0x11  }
0xbc: {  	s0 =	sor.u32 s1, s0  }
0xbd: {  	s0 =	sadd.s32 $0x8F2B, s0  }
0xbe: {  	[sflag:s0] =	ssyncadd.remote.s32 $0x1  }
0xbf: {  	_ =	sfence.sel $0xFFFF  }
0xc0: {  	[dreg:$0x0] =	wrdreg $0xFFFFFFFF;
	(pc) =	sbr.abs _section_cstart, $3  }
0xc1: {  	[dreg:$0x1] =	wrdreg $0xFFFFFFFF  }
0xc2: {  	_ =	task.clear_ibuf [dreg:s7], $0x2FFFF;
	_ =	strace $0x9FFFFFFF  }
0xc3: {  	(tm) =	ssettm $0x7FFFFFFF  }
tec
execute0_lowered:
.L_overlay_start_1:
0x0: {  	(tag) =	ssettag $0x1  }
0x1: {  	s1 =	rddreg [dreg:$0x0]  }
0x2: {  	s6 =	rddreg [dreg:$0x1]  }
0x3: {  	s3 =	rddreg [dreg:$0x2]  }
0x4: {  	s0 =	rddreg [dreg:$0x3];
	s5 =	srdreg.scid  }
0x5: {  	s2 =	stileid.u32;
	s4 =	simm.s32 $0x0;
	s14 =	simm.s32 $0x2  }
0x6: {  	s15 =	simm.s32 $0x2800;
	s16 =	simm.s32 $0x80;
	s17 =	simm.s32 $0x1  }
0x7: {  	s21 =	simm.s32 $0x0;
	s5 =	sand.u32 $0x1, s5;
	s8 =	smul.u32 $0x50000, s2  }
0x8: {  	s7 =	sshll.u32 s2, $0x1;
	[smem:$0x7FF] =	sst s4;
	s19 =	smul.u32 $0x2800, s2  }
0x9: {  	s31 =	sshll.u32 s2, $0x6;
	s7 =	sor.u32 s5, s7;
	s9 =	smul.u32 $0x28000, s5  }
0xa: {  	s10 =	ssub.s32 $0x2, s5;
	s7 =	smul.u32 $0x500, s7;
	s29 =	sshrl.u32 s8, $0x2  }
0xb: {  	_ =	strace $0x80000050;
	s30 =	sshrl.u32 s10, $0x1;
	s5 =	sadd.s32 s29, s3  }
0xc: {  	s12 =	sadd.s32 s9, s6;
	s13 =	ssub.s32 s10, s30;
	s11 =	sadd.s32 s7, s6  }
0xd: {  	s6 =	sadd.s32 $0x4000, s5;
	s7 =	sadd.s32 $0x8000, s5;
	s8 =	sadd.s32 $0xC000, s5  }
0xe: {  	s9 =	sadd.s32 $0x10000, s5;
	s18 =	sadd.s32 $0x16E00, s12;
	s12 =	smax.u32 s13, $0x1  }
0xf: {  	s13 =	simm.s32 $0x5000;
	s20 =	sshrl.u32 s5, $0x3;
	s10 =	sadd.s32 $0xCE00, s11  }
0x10: {  	v0 =	vimm.f32 $0.0e+00;
	s11 =	sadd.s32 $0x2E00, s11;
	s18 =	sadd.s32 s19, s18;
	s19 =	sor.u32 $0x1C02, s31  }
.LBB2_1:
0x11: {  	s22 =	sand.u32 $0xFE00, s4  }
0x12: {  	s23 =	sand.u32 $0x70, s4;
	s24 =	sshrl.u32 s22, $0x2  }
0x13: {  	s22 =	simm.s32 $0x40;
	s24 =	sor.u32 s23, s24;
	s23 =	simm.s32 $0x0  }
.LBB2_2:
0x14: {  	p0 =	sne.s32 s22, $0xFFC0  }
0x15: {  	[tilespmem:s24+$0x5000] =	vst v0;
	s23 =	sadd.s32 $0x10, s23;
	s24 =	smov.u32 s22;
	s22 =	sadd.s32 $0x40, s22  }
.Ltmp0:
0x16: {  	(pc) =	sbr.rel @p0 .LBB2_2-.Ltmp0, $4  }
0x17: {  	_ = 	snop  }
0x18: {  	s24 =	sand.u32 $0xFE00, s24  }
0x19: {  	s25 =	sand.u32 $0x70, s23;
	s24 =	sshrl.u32 s24, $0x2  }
0x1a: {  	s24 =	sor.u32 s25, s24  }
0x1b: {  	[tilespmem:s24+$0x5000] =	vst v0  }
0x1c: {  	[spmem:s5] =	stream.linear.scatter [tilespmem:s13], [sflag:$0x2], $0x4000, $0x38;
	[tilespmem:$0x1D000] =	vst v63  }
0x1d: {  	_ =	swait.ge [sflag:s14], $0x4000  }
0x1e: {  	[sflag:s14] =	ssyncset.done $0x0  }
0x1f: {  	[sflag:s14] =	ssyncadd.s32 $0xFFFFC000  }
0x20: {  	[spmem:s6] =	stream.linear.scatter [tilespmem:s13], [sflag:$0x2], $0x4000, $0x38;
	[tilespmem:$0x1D000] =	vst v63  }
0x21: {  	_ =	swait.ge [sflag:s14], $0x4000  }
0x22: {  	[sflag:s14] =	ssyncset.done $0x0  }
0x23: {  	[sflag:s14] =	ssyncadd.s32 $0xFFFFC000  }
0x24: {  	[spmem:s7] =	stream.linear.scatter [tilespmem:s13], [sflag:$0x2], $0x4000, $0x38;
	[tilespmem:$0x1D000] =	vst v63  }
0x25: {  	_ =	swait.ge [sflag:s14], $0x4000  }
0x26: {  	[sflag:s14] =	ssyncset.done $0x0  }
0x27: {  	[sflag:s14] =	ssyncadd.s32 $0xFFFFC000  }
0x28: {  	[spmem:s8] =	stream.linear.scatter [tilespmem:s13], [sflag:$0x2], $0x4000, $0x38;
	[tilespmem:$0x1D000] =	vst v63  }
0x29: {  	_ =	swait.ge [sflag:s14], $0x4000  }
0x2a: {  	[sflag:s14] =	ssyncset.done $0x0  }
0x2b: {  	[sflag:s14] =	ssyncadd.s32 $0xFFFFC000  }
0x2c: {  	[spmem:s9] =	stream.linear.scatter [tilespmem:s13], [sflag:$0x2], $0x4000, $0x38;
	[tilespmem:$0x1D000] =	vst v63  }
0x2d: {  	_ =	swait.ge [sflag:s14], $0x4000  }
0x2e: {  	[sflag:s14] =	ssyncset.done $0x0  }
0x2f: {  	[sflag:s14] =	ssyncadd.s32 $0xFFFFC000  }
0x30: {  	s22 =	simm.s32 $0x0;
	[bflag:$0x0] =	sbarrier.arrive $0xFFFF  }
0x31: {  	[tilespmem:s22], [sflag:$0x2] =	stream.linear.gather [hbm4b:s10+s22], $0x2780, $0x38;
	[tilespmem:$0x1D000] =	vst v63  }
0x32: {  	_ =	swait.ge [sflag:s14], $0x2780  }
0x33: {  	[sflag:s14] =	ssyncset.done $0x0  }
0x34: {  	[sflag:s14] =	ssyncadd.s32 $0xFFFFD880  }
0x35: {  	[tilespmem:s15], [sflag:$0x2] =	stream.linear.gather [hbm4b:s11+s22], $0x2780, $0x38;
	[tilespmem:$0x1D000] =	vst v63  }
0x36: {  	_ =	swait.ge [sflag:s14], $0x2780  }
0x37: {  	[sflag:s14] =	ssyncset.done $0x0  }
0x38: {  	s30 =	simm.s32 $0x0;
	[sflag:s14] =	ssyncadd.s32 $0xFFFFD880  }
0x39: {  	[tilespmem:s13], [sflag:$0x1] =	stream.indirect.gather [hbm4b:s1+s16], $0x80, s30, s16, $0xb8;
	[tilespmem:$0x1D000] =	vst v63  }
0x3a: {  	_ =	swait.ge [sflag:s17], $0x4000  }
0x3b: {  	[sflag:s17] =	ssyncset.done $0x0  }
0x3c: {  	s31 =	simm.s32 $0x2800;
	[sflag:s17] =	ssyncadd.s32 $0xFFFFC000  }
0x3d: {  	[spmem:s3] =	stream.indirect.scatter.add.f32 [tilespmem:s13], [sflag:$0x2], $0x80, s31, s16, $0xb8;
	[tilespmem:$0x1D000] =	vst v63  }
0x3e: {  	_ =	swait.ge [sflag:s14], $0x4000  }
0x3f: {  	s23 =	simm.s32 $0x400;
	s22 =	simm.s32 $0x200;
	[sflag:s14] =	ssyncset.done $0x0  }
.LBB2_4:
0x40: {  	s24 =	sshra.s32 s22, $0x2  }
0x41: {  	[sflag:s14] =	ssyncadd.s32 $0xFFFFC000;
	s22 =	smov.u32 s23;
	s25 =	sadd.s32 $0x200, s23  }
0x42: {  	[tilespmem:s13], [sflag:$0x1] =	stream.indirect.gather [hbm4b:s1+s16], $0x80, s24, s16, $0xb8;
	[tilespmem:$0x1D000] =	vst v63  }
0x43: {  	p0 =	sne.s32 s23, $0x9C00;
	_ =	swait.ge [sflag:s17], $0x4000  }
.Ltmp1:
0x44: {  	[sflag:s17] =	ssyncset.done $0x0;
	(pc) =	sbr.rel @p0 .LBB2_4-.Ltmp1, $4  }
0x45: {  	s23 =	sadd.s32 $0x2800, s24;
	[sflag:s17] =	ssyncadd.s32 $0xFFFFC000  }
0x46: {  	[spmem:s3] =	stream.indirect.scatter.add.f32 [tilespmem:s13], [sflag:$0x2], $0x80, s23, s16, $0xb8;
	[tilespmem:$0x1D000] =	vst v63  }
0x47: {  	_ =	swait.ge [sflag:s14], $0x4000  }
0x48: {  	s23 =	smov.u32 s25;
	[sflag:s14] =	ssyncset.done $0x0  }
0x49: {  	s22 =	sshra.s32 s22, $0x2;
	[sflag:s14] =	ssyncadd.s32 $0xFFFFC000  }
0x4a: {  	[tilespmem:s13], [sflag:$0x1] =	stream.indirect.gather [hbm4b:s1+s16], $0x80, s22, s16, $0xb8;
	[tilespmem:$0x1D000] =	vst v63  }
0x4b: {  	_ =	swait.ge [sflag:s17], $0x4000  }
0x4c: {  	[sflag:s17] =	ssyncset.done $0x0  }
0x4d: {  	s22 =	sadd.s32 $0x2800, s22;
	[sflag:s17] =	ssyncadd.s32 $0xFFFFC000  }
0x4e: {  	[spmem:s3] =	stream.indirect.scatter.add.f32 [tilespmem:s13], [sflag:$0x2], $0x80, s22, s16, $0xb8;
	[tilespmem:$0x1D000] =	vst v63  }
0x4f: {  	_ =	swait.ge [sflag:s14], $0x4000  }
0x50: {  	s21 =	sadd.s32 $0x1, s21;
	[sflag:s14] =	ssyncset.done $0x0  }
0x51: {  	p0 =	sne.s32 s21, s12;
	[sflag:s14] =	ssyncadd.s32 $0xFFFFC000  }
.Ltmp2:
0x52: {  	[bflag:$0x0] =	sbarrier.arrive $0xFFFF;
	(pc) =	sbr.rel @p0 .LBB2_1-.Ltmp2, $4  }
0x53: {  	[hbm:s18], [sflag:s19] =	dma.local [spmem:s20], $0x2800  }
0x54: {  	_ =	swait.ge [sflag:s14], $0x2800  }
0x55: {  	[sflag:s14] =	ssyncset.done $0x0  }
0x56: {  	[sflag:s14] =	ssyncadd.s32 $0xFFFFD800  }
0x57: {  	_ =	sfence.sel $0x180000  }
0x58: {  	[bflag:$0x0] =	sbarrier.arrive $0xFFFF  }
0x59: {  	p0 =	sne.s32 s2, $0x0;
	_ =	strace $0x90000050  }
0x5a: {  	s0 =	sadd.s32 @!p0 $0x100000, s0;
	[bflag:$0x2] =	sbarrier.arrive $0xFFFF  }
0x5b: {  	[sflag:s0] =	ssyncadd.tile.s32 @!p0 $0x1;
	_ =	shalt  }
.Lfunc_end2:
_tile_overlayer_lowered:
.L_overlay_start_2:
0x5c: {  	(tag) =	ssettag $0x2  }
0x5d: {  	s0 =	rddreg [dreg:$0x0];
	s2 =	stileid.u32  }
0x5e: {  	s1 =	rddreg [dreg:$0x1];
	p0 =	sne.s32 s2, $0x0  }
0x5f: {  	s3 =	rddreg [dreg:$0x2];
	[bflag:$0x3] =	sbarrier.arrive $0xFFFF;
	s2 =	simm.s32 @!p0 $0x1C02  }
0x60: {  	[timem:s3], [sflag:s2] =	dma.local @!p0 [hbm:s0], s1  }
0x61: {  	s0 =	simm.s32 @!p0 $0x2  }
0x62: {  	_ =	swait.ge @!p0 [sflag:s0], s1  }
0x63: {  	s1 =	ssub.s32 @!p0 $0x0, s1;
	[sflag:s0] =	ssyncset.done @!p0 $0x0  }
0x64: {  	[sflag:s0] =	ssyncadd.s32 @!p0 s1  }
0x65: {  	[bflag:$0x3] =	sbarrier.arrive $0xFFFF  }
0x66: {  	_ =	shalt  }

</sc_bundles>
